<compile_context>
chip_gen: v7x
topology: tpu7x:2x2x1
jax: 0.10.2.dev20260603
libtpu: 0.0.44.dev20260713+nightly
codegen_flags: <defaults>
</compile_context>

<pallas_src>
import functools
import math

import jax
import jax.numpy as jnp
from jax import lax
from jax.experimental import pallas as pl
from jax.experimental.pallas import tpu as pltpu
from jax.experimental.pallas import tpu_sc as plsc

VOCAB = 100000
D = 128
B = 4
T = 2048
NC, NS, L = 2, 16, 16
NW = NC * NS
PW = T // NW
NQ = 2
QW = PW // NQ
QR = B * QW
SCALE = math.sqrt(D)

_mesh = plsc.VectorSubcoreMesh(core_axis_name="c", subcore_axis_name="s")


@functools.partial(
    pl.kernel,
    mesh=_mesh,
    out_type=jax.ShapeDtypeStruct((B, T, D), jnp.float32),
    scratch_types=[
        pltpu.VMEM((NQ, QR), jnp.int32),
        pltpu.VMEM((NQ * QR, D), jnp.float32),
        pltpu.VMEM((PW, D), jnp.float32),
        pltpu.SemaphoreType.DMA,
        pltpu.SemaphoreType.DMA,
    ]
    + [pltpu.SemaphoreType.DMA] * NQ
    + [pltpu.SemaphoreType.DMA],
)
def _embed(idx_hbm, tok_hbm, pos_hbm, out_hbm, idx_v, rows_v, pos_v,
           isem, psem, *rest):
    qsems, osem = rest[:NQ], rest[NQ]
    wid = lax.axis_index("s") * NC + lax.axis_index("c")
    p0 = wid * PW

    pcopy = pltpu.async_copy(pos_hbm.at[pl.ds(p0, PW)], pos_v, psem)
    pltpu.async_copy(idx_hbm.at[wid], idx_v, isem).wait()
    gathers = [
        pltpu.async_copy(
            tok_hbm.at[idx_v.at[q]],
            rows_v.at[pl.ds(q * QR, QR)], qsems[q])
        for q in range(NQ)
    ]

    out_waits = []
    for q, g in enumerate(gathers):
        g.wait()
        if q == 0:
            pcopy.wait()

        def body(i, carry, q=q):
            pi = q * QW + i
            for j in range(D // L):
                sl = pl.ds(j * L, L)
                pv = pos_v[pi, sl]
                for b in range(B):
                    row = q * QR + b * QW + i
                    rows_v[row, sl] = rows_v[row, sl] * SCALE + pv
            return carry

        lax.fori_loop(0, QW, body, 0)
        for b in range(B):
            out_waits.append(pltpu.async_copy(
                rows_v.at[pl.ds(q * QR + b * QW, QW)],
                out_hbm.at[b, pl.ds(p0 + q * QW, QW)], osem))

    for wt in out_waits:
        wt.wait()


def kernel(token_ids, tok_table, pos_table):
    idx = (token_ids.astype(jnp.int32)
           .reshape(B, NW, NQ, QW)
           .transpose(1, 2, 0, 3)
           .reshape(NW, NQ, QR))
    out = _embed(idx, tok_table, pos_table)
    return out

# --- scband reference (transcript-rebuilt; emitter-appended) ---
"""Pipeline reference for scband-embeddings-24352464570220 (READ-ONLY COPY).

The authoritative reference and input builder live on the scoring server;
editing this copy changes nothing except your own understanding.
"""

import math
import jax, jax.numpy as jnp
import numpy as np

VOCAB = 100000
N_EMBED = 128
MAX_SEQ = 2048
B, T = 4, 2048


def setup_inputs(seed: int = 0) -> dict:
    key = jax.random.key(seed)
    k1, k2, k3 = jax.random.split(key, 3)
    token_ids = jax.random.randint(k1, (B, T), 0, VOCAB, dtype=jnp.int64 if jax.config.jax_enable_x64 else jnp.int32)
    tok_table = (jax.random.normal(k2, (VOCAB, N_EMBED), dtype=jnp.float32) * 0.02)
    pos_table = (jax.random.normal(k3, (MAX_SEQ, N_EMBED), dtype=jnp.float32) * 0.02)
    return {"token_ids": token_ids, "tok_table": tok_table, "pos_table": pos_table}


def reference(token_ids, tok_table, pos_table):
    # TokenEmbedding: gather + scale by sqrt(n_embed)
    scale = math.sqrt(tok_table.shape[1])
    tok_emb = jnp.take(tok_table, token_ids, axis=0) * scale
    # LearnedPositionalEncoding: gather positions 0..T-1, broadcast-add
    Tcur = token_ids.shape[1]
    positions = jnp.arange(Tcur)
    pos_emb = jnp.take(pos_table, positions, axis=0)[None, :, :]
    # dropout(p=0.0) is identity
    return tok_emb + pos_emb

if __name__ == "__main__":
    import jax
    _d = setup_inputs()
    print(jax.jit(kernel)(*tuple(_d.values())))

</pallas_src>

<mosaic_0001>
#map = affine_map<(d0, d1) -> (0, 0, 0)>
#map1 = affine_map<(d0, d1) -> (0, 0)>
module attributes {stable_mosaic.version = 14 : i64} {
  func.func @_embed(%arg0: i32, %arg1: i32, %arg2: memref<32x2x128xi32, #tpu.memory_space<hbm>>, %arg3: memref<100000x128xf32, #tpu.memory_space<hbm>>, %arg4: memref<2048x128xf32, #tpu.memory_space<hbm>>, %arg5: memref<4x2048x128xf32, #tpu.memory_space<hbm>>, %arg6: memref<2x128xi32, #tpu.memory_space<vmem>>, %arg7: memref<256x128xf32, #tpu.memory_space<vmem>>, %arg8: memref<64x128xf32, #tpu.memory_space<vmem>>, %arg9: memref<!tpu.dma_semaphore, #tpu.memory_space<semaphore_mem>>, %arg10: memref<!tpu.dma_semaphore, #tpu.memory_space<semaphore_mem>>, %arg11: memref<!tpu.dma_semaphore, #tpu.memory_space<semaphore_mem>>, %arg12: memref<!tpu.dma_semaphore, #tpu.memory_space<semaphore_mem>>, %arg13: memref<!tpu.dma_semaphore, #tpu.memory_space<semaphore_mem>>) attributes {dimension_semantics = [#tpu.dimension_semantics<core_parallel>, #tpu.dimension_semantics<subcore_parallel>], iteration_bounds = array<i64: 2, 16>, scalar_prefetch = 0 : i64, scratch_operands = 8 : i64, tpu.core_type = #tpu.core_type<sc_vector_subcore>, window_params = [{transform_indices = #map}, {transform_indices = #map1}, {transform_indices = #map1}, {transform_indices = #map}]} {
    %mul3A = arith.constant 2 : i32
    %mul3A_0 = arith.muli %arg1, %mul3A : i32
    %add3A = arith.addi %mul3A_0, %arg0 : i32
    %mul3A_1 = arith.constant 64 : i32
    %mul3A_2 = arith.muli %add3A, %mul3A_1 : i32
    %dma_start3A = arith.constant 0 : i32
    %dma_start3A_3 = tpu.memref_slice %arg4[%mul3A_2, %dma_start3A] : memref<2048x128xf32, #tpu.memory_space<hbm>> -> memref<64x128xf32, #tpu.memory_space<hbm>>
    %dma_start3A_4 = arith.constant 0 : i32
    %dma_start3A_5 = tpu.memref_slice %arg4[%mul3A_2, %dma_start3A_4] : memref<2048x128xf32, #tpu.memory_space<hbm>> -> memref<64x128xf32, #tpu.memory_space<hbm>>
    tpu.enqueue_dma source(%dma_start3A_5 : memref<64x128xf32, #tpu.memory_space<hbm>>) target(%arg8 : memref<64x128xf32, #tpu.memory_space<vmem>>) target_semaphore(%arg10 : memref<!tpu.dma_semaphore, #tpu.memory_space<semaphore_mem>>)
    %dma_start3A_6 = arith.constant 0 : i32
    %dma_start3A_7 = arith.constant 0 : i32
    %dma_start3A_8 = tpu.memref_slice %arg2[%add3A, %dma_start3A_6, %dma_start3A_7] : memref<32x2x128xi32, #tpu.memory_space<hbm>> -> memref<1x2x128xi32, #tpu.memory_space<hbm>>
    %dma_start3A_9 = tpu.memref_squeeze %dma_start3A_8 : memref<1x2x128xi32, #tpu.memory_space<hbm>> -> memref<2x128xi32, #tpu.memory_space<hbm>>
    %dma_start3A_10 = arith.constant 0 : i32
    %dma_start3A_11 = arith.constant 0 : i32
    %dma_start3A_12 = tpu.memref_slice %arg2[%add3A, %dma_start3A_10, %dma_start3A_11] : memref<32x2x128xi32, #tpu.memory_space<hbm>> -> memref<1x2x128xi32, #tpu.memory_space<hbm>>
    %dma_start3A_13 = tpu.memref_squeeze %dma_start3A_12 : memref<1x2x128xi32, #tpu.memory_space<hbm>> -> memref<2x128xi32, #tpu.memory_space<hbm>>
    tpu.enqueue_dma source(%dma_start3A_13 : memref<2x128xi32, #tpu.memory_space<hbm>>) target(%arg6 : memref<2x128xi32, #tpu.memory_space<vmem>>) target_semaphore(%arg9 : memref<!tpu.dma_semaphore, #tpu.memory_space<semaphore_mem>>)
    %dma_wait3A = arith.constant 0 : i32
    %dma_wait3A_14 = arith.constant 0 : i32
    %dma_wait3A_15 = tpu.memref_slice %arg2[%add3A, %dma_wait3A, %dma_wait3A_14] : memref<32x2x128xi32, #tpu.memory_space<hbm>> -> memref<1x2x128xi32, #tpu.memory_space<hbm>>
    %dma_wait3A_16 = tpu.memref_squeeze %dma_wait3A_15 : memref<1x2x128xi32, #tpu.memory_space<hbm>> -> memref<2x128xi32, #tpu.memory_space<hbm>>
    %dma_wait3A_17 = arith.constant 0 : i32
    %dma_wait3A_18 = arith.constant 0 : i32
    %dma_wait3A_19 = tpu.memref_slice %arg2[%add3A, %dma_wait3A_17, %dma_wait3A_18] : memref<32x2x128xi32, #tpu.memory_space<hbm>> -> memref<1x2x128xi32, #tpu.memory_space<hbm>>
    %dma_wait3A_20 = tpu.memref_squeeze %dma_wait3A_19 : memref<1x2x128xi32, #tpu.memory_space<hbm>> -> memref<2x128xi32, #tpu.memory_space<hbm>>
    tpu.wait_dma2 semaphore(%arg9 : memref<!tpu.dma_semaphore, #tpu.memory_space<semaphore_mem>>) src(%dma_wait3A_20 : memref<2x128xi32, #tpu.memory_space<hbm>>) dst(%arg6 : memref<2x128xi32, #tpu.memory_space<vmem>>)
    %dma_start3A_21 = arith.constant 0 : i32
    %dma_start3A_22 = arith.constant 0 : i32
    %dma_start3A_23 = arith.constant 0 : i32
    %dma_start3A_24 = tpu.memref_slice %arg7[%dma_start3A_22, %dma_start3A_23] : memref<256x128xf32, #tpu.memory_space<vmem>> -> memref<128x128xf32, #tpu.memory_space<vmem>>
    %dma_start3A_25 = arith.constant 0 : i32
    %dma_start3A_26 = tpu.memref_slice %arg6[%dma_start3A_21, %dma_start3A_25] : memref<2x128xi32, #tpu.memory_space<vmem>> -> memref<1x128xi32, #tpu.memory_space<vmem>>
    %dma_start3A_27 = tpu.memref_squeeze %dma_start3A_26 : memref<1x128xi32, #tpu.memory_space<vmem>> -> memref<128xi32, #tpu.memory_space<vmem>>
    %dma_start3A_28 = arith.constant 0 : i32
    %dma_start3A_29 = arith.constant 0 : i32
    %dma_start3A_30 = tpu.memref_slice %arg3[%dma_start3A_28, %dma_start3A_29] : memref<100000x128xf32, #tpu.memory_space<hbm>> -> memref<100000x128xf32, #tpu.memory_space<hbm>>
    tpu.enqueue_indirect_dma source(%dma_start3A_30 : memref<100000x128xf32, #tpu.memory_space<hbm>>) target(%dma_start3A_24 : memref<128x128xf32, #tpu.memory_space<vmem>>) offsets(%dma_start3A_27 : memref<128xi32, #tpu.memory_space<vmem>>) semaphore(%arg11 : memref<!tpu.dma_semaphore, #tpu.memory_space<semaphore_mem>>)
    %dma_start3A_31 = arith.constant 1 : i32
    %dma_start3A_32 = arith.constant 128 : i32
    %dma_start3A_33 = arith.constant 0 : i32
    %dma_start3A_34 = tpu.memref_slice %arg7[%dma_start3A_32, %dma_start3A_33] : memref<256x128xf32, #tpu.memory_space<vmem>> -> memref<128x128xf32, #tpu.memory_space<vmem>>
    %dma_start3A_35 = arith.constant 0 : i32
    %dma_start3A_36 = tpu.memref_slice %arg6[%dma_start3A_31, %dma_start3A_35] : memref<2x128xi32, #tpu.memory_space<vmem>> -> memref<1x128xi32, #tpu.memory_space<vmem>>
    %dma_start3A_37 = tpu.memref_squeeze %dma_start3A_36 : memref<1x128xi32, #tpu.memory_space<vmem>> -> memref<128xi32, #tpu.memory_space<vmem>>
    %dma_start3A_38 = arith.constant 0 : i32
    %dma_start3A_39 = arith.constant 0 : i32
    %dma_start3A_40 = tpu.memref_slice %arg3[%dma_start3A_38, %dma_start3A_39] : memref<100000x128xf32, #tpu.memory_space<hbm>> -> memref<100000x128xf32, #tpu.memory_space<hbm>>
    tpu.enqueue_indirect_dma source(%dma_start3A_40 : memref<100000x128xf32, #tpu.memory_space<hbm>>) target(%dma_start3A_34 : memref<128x128xf32, #tpu.memory_space<vmem>>) offsets(%dma_start3A_37 : memref<128xi32, #tpu.memory_space<vmem>>) semaphore(%arg12 : memref<!tpu.dma_semaphore, #tpu.memory_space<semaphore_mem>>)
    %dma_wait3A_41 = arith.constant 0 : i32
    %dma_wait3A_42 = arith.constant 0 : i32
    %dma_wait3A_43 = arith.constant 0 : i32
    %dma_wait3A_44 = tpu.memref_slice %arg7[%dma_wait3A_42, %dma_wait3A_43] : memref<256x128xf32, #tpu.memory_space<vmem>> -> memref<128x128xf32, #tpu.memory_space<vmem>>
    %dma_wait3A_45 = arith.constant 0 : i32
    %dma_wait3A_46 = tpu.memref_slice %arg6[%dma_wait3A_41, %dma_wait3A_45] : memref<2x128xi32, #tpu.memory_space<vmem>> -> memref<1x128xi32, #tpu.memory_space<vmem>>
    %dma_wait3A_47 = tpu.memref_squeeze %dma_wait3A_46 : memref<1x128xi32, #tpu.memory_space<vmem>> -> memref<128xi32, #tpu.memory_space<vmem>>
    %dma_wait3A_48 = arith.constant 0 : i32
    %dma_wait3A_49 = arith.constant 0 : i32
    %dma_wait3A_50 = tpu.memref_slice %arg3[%dma_wait3A_48, %dma_wait3A_49] : memref<100000x128xf32, #tpu.memory_space<hbm>> -> memref<100000x128xf32, #tpu.memory_space<hbm>>
    tpu.wait_indirect_dma semaphore(%arg11 : memref<!tpu.dma_semaphore, #tpu.memory_space<semaphore_mem>>) src(%dma_wait3A_50 : memref<100000x128xf32, #tpu.memory_space<hbm>>) dst(%dma_wait3A_44 : memref<128x128xf32, #tpu.memory_space<vmem>>)
    %dma_wait3A_51 = arith.constant 0 : i32
    %dma_wait3A_52 = tpu.memref_slice %arg4[%mul3A_2, %dma_wait3A_51] : memref<2048x128xf32, #tpu.memory_space<hbm>> -> memref<64x128xf32, #tpu.memory_space<hbm>>
    %dma_wait3A_53 = arith.constant 0 : i32
    %dma_wait3A_54 = tpu.memref_slice %arg4[%mul3A_2, %dma_wait3A_53] : memref<2048x128xf32, #tpu.memory_space<hbm>> -> memref<64x128xf32, #tpu.memory_space<hbm>>
    tpu.wait_dma2 semaphore(%arg10 : memref<!tpu.dma_semaphore, #tpu.memory_space<semaphore_mem>>) src(%dma_wait3A_54 : memref<64x128xf32, #tpu.memory_space<hbm>>) dst(%arg8 : memref<64x128xf32, #tpu.memory_space<vmem>>)
    %scan3A = arith.constant 0 : i32
    %scan3A_55 = arith.constant 0 : i32
    %scan3A_56 = arith.constant 32 : i32
    %scan3A_57 = arith.addi %scan3A_55, %scan3A_56 : i32
    %scan3A_58 = arith.constant 1 : i32
    scf.for %scan3A_300 = %scan3A_55 to %scan3A_57 step %scan3A_58  : i32 {
      %add3A_301 = arith.constant 0 : i32
      %add3A_302 = arith.addi %add3A_301, %scan3A_300 : i32
      %get3A = arith.index_cast %add3A_302 : i32 to index
      %get3A_303 = arith.constant 0 : index
      %get3A_304 = tpu.vector_load %arg8[%get3A, %get3A_303] {strides = array<i32>} : memref<64x128xf32, #tpu.memory_space<vmem>>, vector<1x16xf32>,
      %get3A_305 = vector.shape_cast %get3A_304 : vector<1x16xf32> to vector<16xf32>
      %add3A_306 = arith.constant 0 : i32
      %add3A_307 = arith.addi %add3A_306, %scan3A_300 : i32
      %get3A_308 = arith.index_cast %add3A_307 : i32 to index
      %get3A_309 = arith.constant 0 : index
      %get3A_310 = tpu.vector_load %arg7[%get3A_308, %get3A_309] {strides = array<i32>} : memref<256x128xf32, #tpu.memory_space<vmem>>, vector<1x16xf32>,
      %get3A_311 = vector.shape_cast %get3A_310 : vector<1x16xf32> to vector<16xf32>
      %mul3A_312 = arith.constant 11.3137083 : f32
      %mul3A_313 = vector.broadcast %mul3A_312 : f32 to vector<16xf32>
      %mul3A_314 = arith.mulf %get3A_311, %mul3A_313 : vector<16xf32>
      %add3A_315 = arith.addf %mul3A_314, %get3A_305 : vector<16xf32>
      %swap3A = arith.index_cast %add3A_307 : i32 to index
      %swap3A_316 = arith.constant 0 : index
      %swap3A_317 = tpu.vector_load %arg7[%swap3A, %swap3A_316] {strides = array<i32>} : memref<256x128xf32, #tpu.memory_space<vmem>>, vector<1x16xf32>,
      %swap3A_318 = vector.shape_cast %swap3A_317 : vector<1x16xf32> to vector<16xf32>
      %swap3A_319 = vector.shape_cast %add3A_315 : vector<16xf32> to vector<1x16xf32>
      tpu.vector_store %arg7[%swap3A, %swap3A_316], %swap3A_319 {strides = array<i32>} : memref<256x128xf32, #tpu.memory_space<vmem>>, vector<1x16xf32>,
      %add3A_320 = arith.constant 32 : i32
      %add3A_321 = arith.addi %add3A_320, %scan3A_300 : i32
      %get3A_322 = arith.index_cast %add3A_321 : i32 to index
      %get3A_323 = arith.constant 0 : index
      %get3A_324 = tpu.vector_load %arg7[%get3A_322, %get3A_323] {strides = array<i32>} : memref<256x128xf32, #tpu.memory_space<vmem>>, vector<1x16xf32>,
      %get3A_325 = vector.shape_cast %get3A_324 : vector<1x16xf32> to vector<16xf32>
      %mul3A_326 = arith.constant 11.3137083 : f32
      %mul3A_327 = vector.broadcast %mul3A_326 : f32 to vector<16xf32>
      %mul3A_328 = arith.mulf %get3A_325, %mul3A_327 : vector<16xf32>
      %add3A_329 = arith.addf %mul3A_328, %get3A_305 : vector<16xf32>
      %swap3A_330 = arith.index_cast %add3A_321 : i32 to index
      %swap3A_331 = arith.constant 0 : index
      %swap3A_332 = tpu.vector_load %arg7[%swap3A_330, %swap3A_331] {strides = array<i32>} : memref<256x128xf32, #tpu.memory_space<vmem>>, vector<1x16xf32>,
      %swap3A_333 = vector.shape_cast %swap3A_332 : vector<1x16xf32> to vector<16xf32>
      %swap3A_334 = vector.shape_cast %add3A_329 : vector<16xf32> to vector<1x16xf32>
      tpu.vector_store %arg7[%swap3A_330, %swap3A_331], %swap3A_334 {strides = array<i32>} : memref<256x128xf32, #tpu.memory_space<vmem>>, vector<1x16xf32>,
      %add3A_335 = arith.constant 64 : i32
      %add3A_336 = arith.addi %add3A_335, %scan3A_300 : i32
      %get3A_337 = arith.index_cast %add3A_336 : i32 to index
      %get3A_338 = arith.constant 0 : index
      %get3A_339 = tpu.vector_load %arg7[%get3A_337, %get3A_338] {strides = array<i32>} : memref<256x128xf32, #tpu.memory_space<vmem>>, vector<1x16xf32>,
      %get3A_340 = vector.shape_cast %get3A_339 : vector<1x16xf32> to vector<16xf32>
      %mul3A_341 = arith.constant 11.3137083 : f32
      %mul3A_342 = vector.broadcast %mul3A_341 : f32 to vector<16xf32>
      %mul3A_343 = arith.mulf %get3A_340, %mul3A_342 : vector<16xf32>
      %add3A_344 = arith.addf %mul3A_343, %get3A_305 : vector<16xf32>
      %swap3A_345 = arith.index_cast %add3A_336 : i32 to index
      %swap3A_346 = arith.constant 0 : index
      %swap3A_347 = tpu.vector_load %arg7[%swap3A_345, %swap3A_346] {strides = array<i32>} : memref<256x128xf32, #tpu.memory_space<vmem>>, vector<1x16xf32>,
      %swap3A_348 = vector.shape_cast %swap3A_347 : vector<1x16xf32> to vector<16xf32>
      %swap3A_349 = vector.shape_cast %add3A_344 : vector<16xf32> to vector<1x16xf32>
      tpu.vector_store %arg7[%swap3A_345, %swap3A_346], %swap3A_349 {strides = array<i32>} : memref<256x128xf32, #tpu.memory_space<vmem>>, vector<1x16xf32>,
      %add3A_350 = arith.constant 96 : i32
      %add3A_351 = arith.addi %add3A_350, %scan3A_300 : i32
      %get3A_352 = arith.index_cast %add3A_351 : i32 to index
      %get3A_353 = arith.constant 0 : index
      %get3A_354 = tpu.vector_load %arg7[%get3A_352, %get3A_353] {strides = array<i32>} : memref<256x128xf32, #tpu.memory_space<vmem>>, vector<1x16xf32>,
      %get3A_355 = vector.shape_cast %get3A_354 : vector<1x16xf32> to vector<16xf32>
      %mul3A_356 = arith.constant 11.3137083 : f32
      %mul3A_357 = vector.broadcast %mul3A_356 : f32 to vector<16xf32>
      %mul3A_358 = arith.mulf %get3A_355, %mul3A_357 : vector<16xf32>
      %add3A_359 = arith.addf %mul3A_358, %get3A_305 : vector<16xf32>
      %swap3A_360 = arith.index_cast %add3A_351 : i32 to index
      %swap3A_361 = arith.constant 0 : index
      %swap3A_362 = tpu.vector_load %arg7[%swap3A_360, %swap3A_361] {strides = array<i32>} : memref<256x128xf32, #tpu.memory_space<vmem>>, vector<1x16xf32>,
      %swap3A_363 = vector.shape_cast %swap3A_362 : vector<1x16xf32> to vector<16xf32>
      %swap3A_364 = vector.shape_cast %add3A_359 : vector<16xf32> to vector<1x16xf32>
      tpu.vector_store %arg7[%swap3A_360, %swap3A_361], %swap3A_364 {strides = array<i32>} : memref<256x128xf32, #tpu.memory_space<vmem>>, vector<1x16xf32>,
      %get3A_365 = arith.index_cast %add3A_302 : i32 to index
      %get3A_366 = arith.constant 16 : index
      %get3A_367 = tpu.vector_load %arg8[%get3A_365, %get3A_366] {strides = array<i32>} : memref<64x128xf32, #tpu.memory_space<vmem>>, vector<1x16xf32>,
      %get3A_368 = vector.shape_cast %get3A_367 : vector<1x16xf32> to vector<16xf32>
      %add3A_369 = arith.constant 0 : i32
      %add3A_370 = arith.addi %add3A_369, %scan3A_300 : i32
      %get3A_371 = arith.index_cast %add3A_370 : i32 to index
      %get3A_372 = arith.constant 16 : index
      %get3A_373 = tpu.vector_load %arg7[%get3A_371, %get3A_372] {strides = array<i32>} : memref<256x128xf32, #tpu.memory_space<vmem>>, vector<1x16xf32>,
      %get3A_374 = vector.shape_cast %get3A_373 : vector<1x16xf32> to vector<16xf32>
      %mul3A_375 = arith.constant 11.3137083 : f32
      %mul3A_376 = vector.broadcast %mul3A_375 : f32 to vector<16xf32>
      %mul3A_377 = arith.mulf %get3A_374, %mul3A_376 : vector<16xf32>
      %add3A_378 = arith.addf %mul3A_377, %get3A_368 : vector<16xf32>
      %swap3A_379 = arith.index_cast %add3A_370 : i32 to index
      %swap3A_380 = arith.constant 16 : index
      %swap3A_381 = tpu.vector_load %arg7[%swap3A_379, %swap3A_380] {strides = array<i32>} : memref<256x128xf32, #tpu.memory_space<vmem>>, vector<1x16xf32>,
      %swap3A_382 = vector.shape_cast %swap3A_381 : vector<1x16xf32> to vector<16xf32>
      %swap3A_383 = vector.shape_cast %add3A_378 : vector<16xf32> to vector<1x16xf32>
      tpu.vector_store %arg7[%swap3A_379, %swap3A_380], %swap3A_383 {strides = array<i32>} : memref<256x128xf32, #tpu.memory_space<vmem>>, vector<1x16xf32>,
      %add3A_384 = arith.constant 32 : i32
      %add3A_385 = arith.addi %add3A_384, %scan3A_300 : i32
      %get3A_386 = arith.index_cast %add3A_385 : i32 to index
      %get3A_387 = arith.constant 16 : index
      %get3A_388 = tpu.vector_load %arg7[%get3A_386, %get3A_387] {strides = array<i32>} : memref<256x128xf32, #tpu.memory_space<vmem>>, vector<1x16xf32>,
      %get3A_389 = vector.shape_cast %get3A_388 : vector<1x16xf32> to vector<16xf32>
      %mul3A_390 = arith.constant 11.3137083 : f32
      %mul3A_391 = vector.broadcast %mul3A_390 : f32 to vector<16xf32>
      %mul3A_392 = arith.mulf %get3A_389, %mul3A_391 : vector<16xf32>
      %add3A_393 = arith.addf %mul3A_392, %get3A_368 : vector<16xf32>
      %swap3A_394 = arith.index_cast %add3A_385 : i32 to index
      %swap3A_395 = arith.constant 16 : index
      %swap3A_396 = tpu.vector_load %arg7[%swap3A_394, %swap3A_395] {strides = array<i32>} : memref<256x128xf32, #tpu.memory_space<vmem>>, vector<1x16xf32>,
      %swap3A_397 = vector.shape_cast %swap3A_396 : vector<1x16xf32> to vector<16xf32>
      %swap3A_398 = vector.shape_cast %add3A_393 : vector<16xf32> to vector<1x16xf32>
      tpu.vector_store %arg7[%swap3A_394, %swap3A_395], %swap3A_398 {strides = array<i32>} : memref<256x128xf32, #tpu.memory_space<vmem>>, vector<1x16xf32>,
      %add3A_399 = arith.constant 64 : i32
      %add3A_400 = arith.addi %add3A_399, %scan3A_300 : i32
      %get3A_401 = arith.index_cast %add3A_400 : i32 to index
      %get3A_402 = arith.constant 16 : index
      %get3A_403 = tpu.vector_load %arg7[%get3A_401, %get3A_402] {strides = array<i32>} : memref<256x128xf32, #tpu.memory_space<vmem>>, vector<1x16xf32>,
      %get3A_404 = vector.shape_cast %get3A_403 : vector<1x16xf32> to vector<16xf32>
      %mul3A_405 = arith.constant 11.3137083 : f32
      %mul3A_406 = vector.broadcast %mul3A_405 : f32 to vector<16xf32>
      %mul3A_407 = arith.mulf %get3A_404, %mul3A_406 : vector<16xf32>
      %add3A_408 = arith.addf %mul3A_407, %get3A_368 : vector<16xf32>
      %swap3A_409 = arith.index_cast %add3A_400 : i32 to index
      %swap3A_410 = arith.constant 16 : index
      %swap3A_411 = tpu.vector_load %arg7[%swap3A_409, %swap3A_410] {strides = array<i32>} : memref<256x128xf32, #tpu.memory_space<vmem>>, vector<1x16xf32>,
      %swap3A_412 = vector.shape_cast %swap3A_411 : vector<1x16xf32> to vector<16xf32>
      %swap3A_413 = vector.shape_cast %add3A_408 : vector<16xf32> to vector<1x16xf32>
      tpu.vector_store %arg7[%swap3A_409, %swap3A_410], %swap3A_413 {strides = array<i32>} : memref<256x128xf32, #tpu.memory_space<vmem>>, vector<1x16xf32>,
      %add3A_414 = arith.constant 96 : i32
      %add3A_415 = arith.addi %add3A_414, %scan3A_300 : i32
      %get3A_416 = arith.index_cast %add3A_415 : i32 to index
      %get3A_417 = arith.constant 16 : index
      %get3A_418 = tpu.vector_load %arg7[%get3A_416, %get3A_417] {strides = array<i32>} : memref<256x128xf32, #tpu.memory_space<vmem>>, vector<1x16xf32>,
      %get3A_419 = vector.shape_cast %get3A_418 : vector<1x16xf32> to vector<16xf32>
      %mul3A_420 = arith.constant 11.3137083 : f32
      %mul3A_421 = vector.broadcast %mul3A_420 : f32 to vector<16xf32>
      %mul3A_422 = arith.mulf %get3A_419, %mul3A_421 : vector<16xf32>
      %add3A_423 = arith.addf %mul3A_422, %get3A_368 : vector<16xf32>
      %swap3A_424 = arith.index_cast %add3A_415 : i32 to index
      %swap3A_425 = arith.constant 16 : index
      %swap3A_426 = tpu.vector_load %arg7[%swap3A_424, %swap3A_425] {strides = array<i32>} : memref<256x128xf32, #tpu.memory_space<vmem>>, vector<1x16xf32>,
      %swap3A_427 = vector.shape_cast %swap3A_426 : vector<1x16xf32> to vector<16xf32>
      %swap3A_428 = vector.shape_cast %add3A_423 : vector<16xf32> to vector<1x16xf32>
      tpu.vector_store %arg7[%swap3A_424, %swap3A_425], %swap3A_428 {strides = array<i32>} : memref<256x128xf32, #tpu.memory_space<vmem>>, vector<1x16xf32>,
      %get3A_429 = arith.index_cast %add3A_302 : i32 to index
      %get3A_430 = arith.constant 32 : index
      %get3A_431 = tpu.vector_load %arg8[%get3A_429, %get3A_430] {strides = array<i32>} : memref<64x128xf32, #tpu.memory_space<vmem>>, vector<1x16xf32>,
      %get3A_432 = vector.shape_cast %get3A_431 : vector<1x16xf32> to vector<16xf32>
      %add3A_433 = arith.constant 0 : i32
      %add3A_434 = arith.addi %add3A_433, %scan3A_300 : i32
      %get3A_435 = arith.index_cast %add3A_434 : i32 to index
      %get3A_436 = arith.constant 32 : index
      %get3A_437 = tpu.vector_load %arg7[%get3A_435, %get3A_436] {strides = array<i32>} : memref<256x128xf32, #tpu.memory_space<vmem>>, vector<1x16xf32>,
      %get3A_438 = vector.shape_cast %get3A_437 : vector<1x16xf32> to vector<16xf32>
      %mul3A_439 = arith.constant 11.3137083 : f32
      %mul3A_440 = vector.broadcast %mul3A_439 : f32 to vector<16xf32>
      %mul3A_441 = arith.mulf %get3A_438, %mul3A_440 : vector<16xf32>
      %add3A_442 = arith.addf %mul3A_441, %get3A_432 : vector<16xf32>
      %swap3A_443 = arith.index_cast %add3A_434 : i32 to index
      %swap3A_444 = arith.constant 32 : index
      %swap3A_445 = tpu.vector_load %arg7[%swap3A_443, %swap3A_444] {strides = array<i32>} : memref<256x128xf32, #tpu.memory_space<vmem>>, vector<1x16xf32>,
      %swap3A_446 = vector.shape_cast %swap3A_445 : vector<1x16xf32> to vector<16xf32>
      %swap3A_447 = vector.shape_cast %add3A_442 : vector<16xf32> to vector<1x16xf32>
      tpu.vector_store %arg7[%swap3A_443, %swap3A_444], %swap3A_447 {strides = array<i32>} : memref<256x128xf32, #tpu.memory_space<vmem>>, vector<1x16xf32>,
      %add3A_448 = arith.constant 32 : i32
      %add3A_449 = arith.addi %add3A_448, %scan3A_300 : i32
      %get3A_450 = arith.index_cast %add3A_449 : i32 to index
      %get3A_451 = arith.constant 32 : index
      %get3A_452 = tpu.vector_load %arg7[%get3A_450, %get3A_451] {strides = array<i32>} : memref<256x128xf32, #tpu.memory_space<vmem>>, vector<1x16xf32>,
      %get3A_453 = vector.shape_cast %get3A_452 : vector<1x16xf32> to vector<16xf32>
      %mul3A_454 = arith.constant 11.3137083 : f32
      %mul3A_455 = vector.broadcast %mul3A_454 : f32 to vector<16xf32>
      %mul3A_456 = arith.mulf %get3A_453, %mul3A_455 : vector<16xf32>
      %add3A_457 = arith.addf %mul3A_456, %get3A_432 : vector<16xf32>
      %swap3A_458 = arith.index_cast %add3A_449 : i32 to index
      %swap3A_459 = arith.constant 32 : index
      %swap3A_460 = tpu.vector_load %arg7[%swap3A_458, %swap3A_459] {strides = array<i32>} : memref<256x128xf32, #tpu.memory_space<vmem>>, vector<1x16xf32>,
      %swap3A_461 = vector.shape_cast %swap3A_460 : vector<1x16xf32> to vector<16xf32>
      %swap3A_462 = vector.shape_cast %add3A_457 : vector<16xf32> to vector<1x16xf32>
      tpu.vector_store %arg7[%swap3A_458, %swap3A_459], %swap3A_462 {strides = array<i32>} : memref<256x128xf32, #tpu.memory_space<vmem>>, vector<1x16xf32>,
      %add3A_463 = arith.constant 64 : i32
      %add3A_464 = arith.addi %add3A_463, %scan3A_300 : i32
      %get3A_465 = arith.index_cast %add3A_464 : i32 to index
      %get3A_466 = arith.constant 32 : index
      %get3A_467 = tpu.vector_load %arg7[%get3A_465, %get3A_466] {strides = array<i32>} : memref<256x128xf32, #tpu.memory_space<vmem>>, vector<1x16xf32>,
      %get3A_468 = vector.shape_cast %get3A_467 : vector<1x16xf32> to vector<16xf32>
      %mul3A_469 = arith.constant 11.3137083 : f32
      %mul3A_470 = vector.broadcast %mul3A_469 : f32 to vector<16xf32>
      %mul3A_471 = arith.mulf %get3A_468, %mul3A_470 : vector<16xf32>
      %add3A_472 = arith.addf %mul3A_471, %get3A_432 : vector<16xf32>
      %swap3A_473 = arith.index_cast %add3A_464 : i32 to index
      %swap3A_474 = arith.constant 32 : index
      %swap3A_475 = tpu.vector_load %arg7[%swap3A_473, %swap3A_474] {strides = array<i32>} : memref<256x128xf32, #tpu.memory_space<vmem>>, vector<1x16xf32>,
      %swap3A_476 = vector.shape_cast %swap3A_475 : vector<1x16xf32> to vector<16xf32>
      %swap3A_477 = vector.shape_cast %add3A_472 : vector<16xf32> to vector<1x16xf32>
      tpu.vector_store %arg7[%swap3A_473, %swap3A_474], %swap3A_477 {strides = array<i32>} : memref<256x128xf32, #tpu.memory_space<vmem>>, vector<1x16xf32>,
      %add3A_478 = arith.constant 96 : i32
      %add3A_479 = arith.addi %add3A_478, %scan3A_300 : i32
      %get3A_480 = arith.index_cast %add3A_479 : i32 to index
      %get3A_481 = arith.constant 32 : index
      %get3A_482 = tpu.vector_load %arg7[%get3A_480, %get3A_481] {strides = array<i32>} : memref<256x128xf32, #tpu.memory_space<vmem>>, vector<1x16xf32>,
      %get3A_483 = vector.shape_cast %get3A_482 : vector<1x16xf32> to vector<16xf32>
      %mul3A_484 = arith.constant 11.3137083 : f32
      %mul3A_485 = vector.broadcast %mul3A_484 : f32 to vector<16xf32>
      %mul3A_486 = arith.mulf %get3A_483, %mul3A_485 : vector<16xf32>
      %add3A_487 = arith.addf %mul3A_486, %get3A_432 : vector<16xf32>
      %swap3A_488 = arith.index_cast %add3A_479 : i32 to index
      %swap3A_489 = arith.constant 32 : index
      %swap3A_490 = tpu.vector_load %arg7[%swap3A_488, %swap3A_489] {strides = array<i32>} : memref<256x128xf32, #tpu.memory_space<vmem>>, vector<1x16xf32>,
      %swap3A_491 = vector.shape_cast %swap3A_490 : vector<1x16xf32> to vector<16xf32>
      %swap3A_492 = vector.shape_cast %add3A_487 : vector<16xf32> to vector<1x16xf32>
      tpu.vector_store %arg7[%swap3A_488, %swap3A_489], %swap3A_492 {strides = array<i32>} : memref<256x128xf32, #tpu.memory_space<vmem>>, vector<1x16xf32>,
      %get3A_493 = arith.index_cast %add3A_302 : i32 to index
      %get3A_494 = arith.constant 48 : index
      %get3A_495 = tpu.vector_load %arg8[%get3A_493, %get3A_494] {strides = array<i32>} : memref<64x128xf32, #tpu.memory_space<vmem>>, vector<1x16xf32>,
      %get3A_496 = vector.shape_cast %get3A_495 : vector<1x16xf32> to vector<16xf32>
      %add3A_497 = arith.constant 0 : i32
      %add3A_498 = arith.addi %add3A_497, %scan3A_300 : i32
      %get3A_499 = arith.index_cast %add3A_498 : i32 to index
      %get3A_500 = arith.constant 48 : index
      %get3A_501 = tpu.vector_load %arg7[%get3A_499, %get3A_500] {strides = array<i32>} : memref<256x128xf32, #tpu.memory_space<vmem>>, vector<1x16xf32>,
      %get3A_502 = vector.shape_cast %get3A_501 : vector<1x16xf32> to vector<16xf32>
      %mul3A_503 = arith.constant 11.3137083 : f32
      %mul3A_504 = vector.broadcast %mul3A_503 : f32 to vector<16xf32>
      %mul3A_505 = arith.mulf %get3A_502, %mul3A_504 : vector<16xf32>
      %add3A_506 = arith.addf %mul3A_505, %get3A_496 : vector<16xf32>
      %swap3A_507 = arith.index_cast %add3A_498 : i32 to index
      %swap3A_508 = arith.constant 48 : index
      %swap3A_509 = tpu.vector_load %arg7[%swap3A_507, %swap3A_508] {strides = array<i32>} : memref<256x128xf32, #tpu.memory_space<vmem>>, vector<1x16xf32>,
      %swap3A_510 = vector.shape_cast %swap3A_509 : vector<1x16xf32> to vector<16xf32>
      %swap3A_511 = vector.shape_cast %add3A_506 : vector<16xf32> to vector<1x16xf32>
      tpu.vector_store %arg7[%swap3A_507, %swap3A_508], %swap3A_511 {strides = array<i32>} : memref<256x128xf32, #tpu.memory_space<vmem>>, vector<1x16xf32>,
      %add3A_512 = arith.constant 32 : i32
      %add3A_513 = arith.addi %add3A_512, %scan3A_300 : i32
      %get3A_514 = arith.index_cast %add3A_513 : i32 to index
      %get3A_515 = arith.constant 48 : index
      %get3A_516 = tpu.vector_load %arg7[%get3A_514, %get3A_515] {strides = array<i32>} : memref<256x128xf32, #tpu.memory_space<vmem>>, vector<1x16xf32>,
      %get3A_517 = vector.shape_cast %get3A_516 : vector<1x16xf32> to vector<16xf32>
      %mul3A_518 = arith.constant 11.3137083 : f32
      %mul3A_519 = vector.broadcast %mul3A_518 : f32 to vector<16xf32>
      %mul3A_520 = arith.mulf %get3A_517, %mul3A_519 : vector<16xf32>
      %add3A_521 = arith.addf %mul3A_520, %get3A_496 : vector<16xf32>
      %swap3A_522 = arith.index_cast %add3A_513 : i32 to index
      %swap3A_523 = arith.constant 48 : index
      %swap3A_524 = tpu.vector_load %arg7[%swap3A_522, %swap3A_523] {strides = array<i32>} : memref<256x128xf32, #tpu.memory_space<vmem>>, vector<1x16xf32>,
      %swap3A_525 = vector.shape_cast %swap3A_524 : vector<1x16xf32> to vector<16xf32>
      %swap3A_526 = vector.shape_cast %add3A_521 : vector<16xf32> to vector<1x16xf32>
      tpu.vector_store %arg7[%swap3A_522, %swap3A_523], %swap3A_526 {strides = array<i32>} : memref<256x128xf32, #tpu.memory_space<vmem>>, vector<1x16xf32>,
      %add3A_527 = arith.constant 64 : i32
      %add3A_528 = arith.addi %add3A_527, %scan3A_300 : i32
      %get3A_529 = arith.index_cast %add3A_528 : i32 to index
      %get3A_530 = arith.constant 48 : index
      %get3A_531 = tpu.vector_load %arg7[%get3A_529, %get3A_530] {strides = array<i32>} : memref<256x128xf32, #tpu.memory_space<vmem>>, vector<1x16xf32>,
      %get3A_532 = vector.shape_cast %get3A_531 : vector<1x16xf32> to vector<16xf32>
      %mul3A_533 = arith.constant 11.3137083 : f32
      %mul3A_534 = vector.broadcast %mul3A_533 : f32 to vector<16xf32>
      %mul3A_535 = arith.mulf %get3A_532, %mul3A_534 : vector<16xf32>
      %add3A_536 = arith.addf %mul3A_535, %get3A_496 : vector<16xf32>
      %swap3A_537 = arith.index_cast %add3A_528 : i32 to index
      %swap3A_538 = arith.constant 48 : index
      %swap3A_539 = tpu.vector_load %arg7[%swap3A_537, %swap3A_538] {strides = array<i32>} : memref<256x128xf32, #tpu.memory_space<vmem>>, vector<1x16xf32>,
      %swap3A_540 = vector.shape_cast %swap3A_539 : vector<1x16xf32> to vector<16xf32>
      %swap3A_541 = vector.shape_cast %add3A_536 : vector<16xf32> to vector<1x16xf32>
      tpu.vector_store %arg7[%swap3A_537, %swap3A_538], %swap3A_541 {strides = array<i32>} : memref<256x128xf32, #tpu.memory_space<vmem>>, vector<1x16xf32>,
      %add3A_542 = arith.constant 96 : i32
      %add3A_543 = arith.addi %add3A_542, %scan3A_300 : i32
      %get3A_544 = arith.index_cast %add3A_543 : i32 to index
      %get3A_545 = arith.constant 48 : index
      %get3A_546 = tpu.vector_load %arg7[%get3A_544, %get3A_545] {strides = array<i32>} : memref<256x128xf32, #tpu.memory_space<vmem>>, vector<1x16xf32>,
      %get3A_547 = vector.shape_cast %get3A_546 : vector<1x16xf32> to vector<16xf32>
      %mul3A_548 = arith.constant 11.3137083 : f32
      %mul3A_549 = vector.broadcast %mul3A_548 : f32 to vector<16xf32>
      %mul3A_550 = arith.mulf %get3A_547, %mul3A_549 : vector<16xf32>
      %add3A_551 = arith.addf %mul3A_550, %get3A_496 : vector<16xf32>
      %swap3A_552 = arith.index_cast %add3A_543 : i32 to index
      %swap3A_553 = arith.constant 48 : index
      %swap3A_554 = tpu.vector_load %arg7[%swap3A_552, %swap3A_553] {strides = array<i32>} : memref<256x128xf32, #tpu.memory_space<vmem>>, vector<1x16xf32>,
      %swap3A_555 = vector.shape_cast %swap3A_554 : vector<1x16xf32> to vector<16xf32>
      %swap3A_556 = vector.shape_cast %add3A_551 : vector<16xf32> to vector<1x16xf32>
      tpu.vector_store %arg7[%swap3A_552, %swap3A_553], %swap3A_556 {strides = array<i32>} : memref<256x128xf32, #tpu.memory_space<vmem>>, vector<1x16xf32>,
      %get3A_557 = arith.index_cast %add3A_302 : i32 to index
      %get3A_558 = arith.constant 64 : index
      %get3A_559 = tpu.vector_load %arg8[%get3A_557, %get3A_558] {strides = array<i32>} : memref<64x128xf32, #tpu.memory_space<vmem>>, vector<1x16xf32>,
      %get3A_560 = vector.shape_cast %get3A_559 : vector<1x16xf32> to vector<16xf32>
      %add3A_561 = arith.constant 0 : i32
      %add3A_562 = arith.addi %add3A_561, %scan3A_300 : i32
      %get3A_563 = arith.index_cast %add3A_562 : i32 to index
      %get3A_564 = arith.constant 64 : index
      %get3A_565 = tpu.vector_load %arg7[%get3A_563, %get3A_564] {strides = array<i32>} : memref<256x128xf32, #tpu.memory_space<vmem>>, vector<1x16xf32>,
      %get3A_566 = vector.shape_cast %get3A_565 : vector<1x16xf32> to vector<16xf32>
      %mul3A_567 = arith.constant 11.3137083 : f32
      %mul3A_568 = vector.broadcast %mul3A_567 : f32 to vector<16xf32>
      %mul3A_569 = arith.mulf %get3A_566, %mul3A_568 : vector<16xf32>
      %add3A_570 = arith.addf %mul3A_569, %get3A_560 : vector<16xf32>
      %swap3A_571 = arith.index_cast %add3A_562 : i32 to index
      %swap3A_572 = arith.constant 64 : index
      %swap3A_573 = tpu.vector_load %arg7[%swap3A_571, %swap3A_572] {strides = array<i32>} : memref<256x128xf32, #tpu.memory_space<vmem>>, vector<1x16xf32>,
      %swap3A_574 = vector.shape_cast %swap3A_573 : vector<1x16xf32> to vector<16xf32>
      %swap3A_575 = vector.shape_cast %add3A_570 : vector<16xf32> to vector<1x16xf32>
      tpu.vector_store %arg7[%swap3A_571, %swap3A_572], %swap3A_575 {strides = array<i32>} : memref<256x128xf32, #tpu.memory_space<vmem>>, vector<1x16xf32>,
      %add3A_576 = arith.constant 32 : i32
      %add3A_577 = arith.addi %add3A_576, %scan3A_300 : i32
      %get3A_578 = arith.index_cast %add3A_577 : i32 to index
      %get3A_579 = arith.constant 64 : index
      %get3A_580 = tpu.vector_load %arg7[%get3A_578, %get3A_579] {strides = array<i32>} : memref<256x128xf32, #tpu.memory_space<vmem>>, vector<1x16xf32>,
      %get3A_581 = vector.shape_cast %get3A_580 : vector<1x16xf32> to vector<16xf32>
      %mul3A_582 = arith.constant 11.3137083 : f32
      %mul3A_583 = vector.broadcast %mul3A_582 : f32 to vector<16xf32>
      %mul3A_584 = arith.mulf %get3A_581, %mul3A_583 : vector<16xf32>
      %add3A_585 = arith.addf %mul3A_584, %get3A_560 : vector<16xf32>
      %swap3A_586 = arith.index_cast %add3A_577 : i32 to index
      %swap3A_587 = arith.constant 64 : index
      %swap3A_588 = tpu.vector_load %arg7[%swap3A_586, %swap3A_587] {strides = array<i32>} : memref<256x128xf32, #tpu.memory_space<vmem>>, vector<1x16xf32>,
      %swap3A_589 = vector.shape_cast %swap3A_588 : vector<1x16xf32> to vector<16xf32>
      %swap3A_590 = vector.shape_cast %add3A_585 : vector<16xf32> to vector<1x16xf32>
      tpu.vector_store %arg7[%swap3A_586, %swap3A_587], %swap3A_590 {strides = array<i32>} : memref<256x128xf32, #tpu.memory_space<vmem>>, vector<1x16xf32>,
      %add3A_591 = arith.constant 64 : i32
      %add3A_592 = arith.addi %add3A_591, %scan3A_300 : i32
      %get3A_593 = arith.index_cast %add3A_592 : i32 to index
      %get3A_594 = arith.constant 64 : index
      %get3A_595 = tpu.vector_load %arg7[%get3A_593, %get3A_594] {strides = array<i32>} : memref<256x128xf32, #tpu.memory_space<vmem>>, vector<1x16xf32>,
      %get3A_596 = vector.shape_cast %get3A_595 : vector<1x16xf32> to vector<16xf32>
      %mul3A_597 = arith.constant 11.3137083 : f32
      %mul3A_598 = vector.broadcast %mul3A_597 : f32 to vector<16xf32>
      %mul3A_599 = arith.mulf %get3A_596, %mul3A_598 : vector<16xf32>
      %add3A_600 = arith.addf %mul3A_599, %get3A_560 : vector<16xf32>
      %swap3A_601 = arith.index_cast %add3A_592 : i32 to index
      %swap3A_602 = arith.constant 64 : index
      %swap3A_603 = tpu.vector_load %arg7[%swap3A_601, %swap3A_602] {strides = array<i32>} : memref<256x128xf32, #tpu.memory_space<vmem>>, vector<1x16xf32>,
      %swap3A_604 = vector.shape_cast %swap3A_603 : vector<1x16xf32> to vector<16xf32>
      %swap3A_605 = vector.shape_cast %add3A_600 : vector<16xf32> to vector<1x16xf32>
      tpu.vector_store %arg7[%swap3A_601, %swap3A_602], %swap3A_605 {strides = array<i32>} : memref<256x128xf32, #tpu.memory_space<vmem>>, vector<1x16xf32>,
      %add3A_606 = arith.constant 96 : i32
      %add3A_607 = arith.addi %add3A_606, %scan3A_300 : i32
      %get3A_608 = arith.index_cast %add3A_607 : i32 to index
      %get3A_609 = arith.constant 64 : index
      %get3A_610 = tpu.vector_load %arg7[%get3A_608, %get3A_609] {strides = array<i32>} : memref<256x128xf32, #tpu.memory_space<vmem>>, vector<1x16xf32>,
      %get3A_611 = vector.shape_cast %get3A_610 : vector<1x16xf32> to vector<16xf32>
      %mul3A_612 = arith.constant 11.3137083 : f32
      %mul3A_613 = vector.broadcast %mul3A_612 : f32 to vector<16xf32>
      %mul3A_614 = arith.mulf %get3A_611, %mul3A_613 : vector<16xf32>
      %add3A_615 = arith.addf %mul3A_614, %get3A_560 : vector<16xf32>
      %swap3A_616 = arith.index_cast %add3A_607 : i32 to index
      %swap3A_617 = arith.constant 64 : index
      %swap3A_618 = tpu.vector_load %arg7[%swap3A_616, %swap3A_617] {strides = array<i32>} : memref<256x128xf32, #tpu.memory_space<vmem>>, vector<1x16xf32>,
      %swap3A_619 = vector.shape_cast %swap3A_618 : vector<1x16xf32> to vector<16xf32>
      %swap3A_620 = vector.shape_cast %add3A_615 : vector<16xf32> to vector<1x16xf32>
      tpu.vector_store %arg7[%swap3A_616, %swap3A_617], %swap3A_620 {strides = array<i32>} : memref<256x128xf32, #tpu.memory_space<vmem>>, vector<1x16xf32>,
      %get3A_621 = arith.index_cast %add3A_302 : i32 to index
      %get3A_622 = arith.constant 80 : index
      %get3A_623 = tpu.vector_load %arg8[%get3A_621, %get3A_622] {strides = array<i32>} : memref<64x128xf32, #tpu.memory_space<vmem>>, vector<1x16xf32>,
      %get3A_624 = vector.shape_cast %get3A_623 : vector<1x16xf32> to vector<16xf32>
      %add3A_625 = arith.constant 0 : i32
      %add3A_626 = arith.addi %add3A_625, %scan3A_300 : i32
      %get3A_627 = arith.index_cast %add3A_626 : i32 to index
      %get3A_628 = arith.constant 80 : index
      %get3A_629 = tpu.vector_load %arg7[%get3A_627, %get3A_628] {strides = array<i32>} : memref<256x128xf32, #tpu.memory_space<vmem>>, vector<1x16xf32>,
      %get3A_630 = vector.shape_cast %get3A_629 : vector<1x16xf32> to vector<16xf32>
      %mul3A_631 = arith.constant 11.3137083 : f32
      %mul3A_632 = vector.broadcast %mul3A_631 : f32 to vector<16xf32>
      %mul3A_633 = arith.mulf %get3A_630, %mul3A_632 : vector<16xf32>
      %add3A_634 = arith.addf %mul3A_633, %get3A_624 : vector<16xf32>
      %swap3A_635 = arith.index_cast %add3A_626 : i32 to index
      %swap3A_636 = arith.constant 80 : index
      %swap3A_637 = tpu.vector_load %arg7[%swap3A_635, %swap3A_636] {strides = array<i32>} : memref<256x128xf32, #tpu.memory_space<vmem>>, vector<1x16xf32>,
      %swap3A_638 = vector.shape_cast %swap3A_637 : vector<1x16xf32> to vector<16xf32>
      %swap3A_639 = vector.shape_cast %add3A_634 : vector<16xf32> to vector<1x16xf32>
      tpu.vector_store %arg7[%swap3A_635, %swap3A_636], %swap3A_639 {strides = array<i32>} : memref<256x128xf32, #tpu.memory_space<vmem>>, vector<1x16xf32>,
      %add3A_640 = arith.constant 32 : i32
      %add3A_641 = arith.addi %add3A_640, %scan3A_300 : i32
      %get3A_642 = arith.index_cast %add3A_641 : i32 to index
      %get3A_643 = arith.constant 80 : index
      %get3A_644 = tpu.vector_load %arg7[%get3A_642, %get3A_643] {strides = array<i32>} : memref<256x128xf32, #tpu.memory_space<vmem>>, vector<1x16xf32>,
      %get3A_645 = vector.shape_cast %get3A_644 : vector<1x16xf32> to vector<16xf32>
      %mul3A_646 = arith.constant 11.3137083 : f32
      %mul3A_647 = vector.broadcast %mul3A_646 : f32 to vector<16xf32>
      %mul3A_648 = arith.mulf %get3A_645, %mul3A_647 : vector<16xf32>
      %add3A_649 = arith.addf %mul3A_648, %get3A_624 : vector<16xf32>
      %swap3A_650 = arith.index_cast %add3A_641 : i32 to index
      %swap3A_651 = arith.constant 80 : index
      %swap3A_652 = tpu.vector_load %arg7[%swap3A_650, %swap3A_651] {strides = array<i32>} : memref<256x128xf32, #tpu.memory_space<vmem>>, vector<1x16xf32>,
      %swap3A_653 = vector.shape_cast %swap3A_652 : vector<1x16xf32> to vector<16xf32>
      %swap3A_654 = vector.shape_cast %add3A_649 : vector<16xf32> to vector<1x16xf32>
      tpu.vector_store %arg7[%swap3A_650, %swap3A_651], %swap3A_654 {strides = array<i32>} : memref<256x128xf32, #tpu.memory_space<vmem>>, vector<1x16xf32>,
      %add3A_655 = arith.constant 64 : i32
      %add3A_656 = arith.addi %add3A_655, %scan3A_300 : i32
      %get3A_657 = arith.index_cast %add3A_656 : i32 to index
      %get3A_658 = arith.constant 80 : index
      %get3A_659 = tpu.vector_load %arg7[%get3A_657, %get3A_658] {strides = array<i32>} : memref<256x128xf32, #tpu.memory_space<vmem>>, vector<1x16xf32>,
      %get3A_660 = vector.shape_cast %get3A_659 : vector<1x16xf32> to vector<16xf32>
      %mul3A_661 = arith.constant 11.3137083 : f32
      %mul3A_662 = vector.broadcast %mul3A_661 : f32 to vector<16xf32>
      %mul3A_663 = arith.mulf %get3A_660, %mul3A_662 : vector<16xf32>
      %add3A_664 = arith.addf %mul3A_663, %get3A_624 : vector<16xf32>
      %swap3A_665 = arith.index_cast %add3A_656 : i32 to index
      %swap3A_666 = arith.constant 80 : index
      %swap3A_667 = tpu.vector_load %arg7[%swap3A_665, %swap3A_666] {strides = array<i32>} : memref<256x128xf32, #tpu.memory_space<vmem>>, vector<1x16xf32>,
      %swap3A_668 = vector.shape_cast %swap3A_667 : vector<1x16xf32> to vector<16xf32>
      %swap3A_669 = vector.shape_cast %add3A_664 : vector<16xf32> to vector<1x16xf32>
      tpu.vector_store %arg7[%swap3A_665, %swap3A_666], %swap3A_669 {strides = array<i32>} : memref<256x128xf32, #tpu.memory_space<vmem>>, vector<1x16xf32>,
      %add3A_670 = arith.constant 96 : i32
      %add3A_671 = arith.addi %add3A_670, %scan3A_300 : i32
      %get3A_672 = arith.index_cast %add3A_671 : i32 to index
      %get3A_673 = arith.constant 80 : index
      %get3A_674 = tpu.vector_load %arg7[%get3A_672, %get3A_673] {strides = array<i32>} : memref<256x128xf32, #tpu.memory_space<vmem>>, vector<1x16xf32>,
      %get3A_675 = vector.shape_cast %get3A_674 : vector<1x16xf32> to vector<16xf32>
      %mul3A_676 = arith.constant 11.3137083 : f32
      %mul3A_677 = vector.broadcast %mul3A_676 : f32 to vector<16xf32>
      %mul3A_678 = arith.mulf %get3A_675, %mul3A_677 : vector<16xf32>
      %add3A_679 = arith.addf %mul3A_678, %get3A_624 : vector<16xf32>
      %swap3A_680 = arith.index_cast %add3A_671 : i32 to index
      %swap3A_681 = arith.constant 80 : index
      %swap3A_682 = tpu.vector_load %arg7[%swap3A_680, %swap3A_681] {strides = array<i32>} : memref<256x128xf32, #tpu.memory_space<vmem>>, vector<1x16xf32>,
      %swap3A_683 = vector.shape_cast %swap3A_682 : vector<1x16xf32> to vector<16xf32>
      %swap3A_684 = vector.shape_cast %add3A_679 : vector<16xf32> to vector<1x16xf32>
      tpu.vector_store %arg7[%swap3A_680, %swap3A_681], %swap3A_684 {strides = array<i32>} : memref<256x128xf32, #tpu.memory_space<vmem>>, vector<1x16xf32>,
      %get3A_685 = arith.index_cast %add3A_302 : i32 to index
      %get3A_686 = arith.constant 96 : index
      %get3A_687 = tpu.vector_load %arg8[%get3A_685, %get3A_686] {strides = array<i32>} : memref<64x128xf32, #tpu.memory_space<vmem>>, vector<1x16xf32>,
      %get3A_688 = vector.shape_cast %get3A_687 : vector<1x16xf32> to vector<16xf32>
      %add3A_689 = arith.constant 0 : i32
      %add3A_690 = arith.addi %add3A_689, %scan3A_300 : i32
      %get3A_691 = arith.index_cast %add3A_690 : i32 to index
      %get3A_692 = arith.constant 96 : index
      %get3A_693 = tpu.vector_load %arg7[%get3A_691, %get3A_692] {strides = array<i32>} : memref<256x128xf32, #tpu.memory_space<vmem>>, vector<1x16xf32>,
      %get3A_694 = vector.shape_cast %get3A_693 : vector<1x16xf32> to vector<16xf32>
      %mul3A_695 = arith.constant 11.3137083 : f32
      %mul3A_696 = vector.broadcast %mul3A_695 : f32 to vector<16xf32>
      %mul3A_697 = arith.mulf %get3A_694, %mul3A_696 : vector<16xf32>
      %add3A_698 = arith.addf %mul3A_697, %get3A_688 : vector<16xf32>
      %swap3A_699 = arith.index_cast %add3A_690 : i32 to index
      %swap3A_700 = arith.constant 96 : index
      %swap3A_701 = tpu.vector_load %arg7[%swap3A_699, %swap3A_700] {strides = array<i32>} : memref<256x128xf32, #tpu.memory_space<vmem>>, vector<1x16xf32>,
      %swap3A_702 = vector.shape_cast %swap3A_701 : vector<1x16xf32> to vector<16xf32>
      %swap3A_703 = vector.shape_cast %add3A_698 : vector<16xf32> to vector<1x16xf32>
      tpu.vector_store %arg7[%swap3A_699, %swap3A_700], %swap3A_703 {strides = array<i32>} : memref<256x128xf32, #tpu.memory_space<vmem>>, vector<1x16xf32>,
      %add3A_704 = arith.constant 32 : i32
      %add3A_705 = arith.addi %add3A_704, %scan3A_300 : i32
      %get3A_706 = arith.index_cast %add3A_705 : i32 to index
      %get3A_707 = arith.constant 96 : index
      %get3A_708 = tpu.vector_load %arg7[%get3A_706, %get3A_707] {strides = array<i32>} : memref<256x128xf32, #tpu.memory_space<vmem>>, vector<1x16xf32>,
      %get3A_709 = vector.shape_cast %get3A_708 : vector<1x16xf32> to vector<16xf32>
      %mul3A_710 = arith.constant 11.3137083 : f32
      %mul3A_711 = vector.broadcast %mul3A_710 : f32 to vector<16xf32>
      %mul3A_712 = arith.mulf %get3A_709, %mul3A_711 : vector<16xf32>
      %add3A_713 = arith.addf %mul3A_712, %get3A_688 : vector<16xf32>
      %swap3A_714 = arith.index_cast %add3A_705 : i32 to index
      %swap3A_715 = arith.constant 96 : index
      %swap3A_716 = tpu.vector_load %arg7[%swap3A_714, %swap3A_715] {strides = array<i32>} : memref<256x128xf32, #tpu.memory_space<vmem>>, vector<1x16xf32>,
      %swap3A_717 = vector.shape_cast %swap3A_716 : vector<1x16xf32> to vector<16xf32>
      %swap3A_718 = vector.shape_cast %add3A_713 : vector<16xf32> to vector<1x16xf32>
      tpu.vector_store %arg7[%swap3A_714, %swap3A_715], %swap3A_718 {strides = array<i32>} : memref<256x128xf32, #tpu.memory_space<vmem>>, vector<1x16xf32>,
      %add3A_719 = arith.constant 64 : i32
      %add3A_720 = arith.addi %add3A_719, %scan3A_300 : i32
      %get3A_721 = arith.index_cast %add3A_720 : i32 to index
      %get3A_722 = arith.constant 96 : index
      %get3A_723 = tpu.vector_load %arg7[%get3A_721, %get3A_722] {strides = array<i32>} : memref<256x128xf32, #tpu.memory_space<vmem>>, vector<1x16xf32>,
      %get3A_724 = vector.shape_cast %get3A_723 : vector<1x16xf32> to vector<16xf32>
      %mul3A_725 = arith.constant 11.3137083 : f32
      %mul3A_726 = vector.broadcast %mul3A_725 : f32 to vector<16xf32>
      %mul3A_727 = arith.mulf %get3A_724, %mul3A_726 : vector<16xf32>
      %add3A_728 = arith.addf %mul3A_727, %get3A_688 : vector<16xf32>
      %swap3A_729 = arith.index_cast %add3A_720 : i32 to index
      %swap3A_730 = arith.constant 96 : index
      %swap3A_731 = tpu.vector_load %arg7[%swap3A_729, %swap3A_730] {strides = array<i32>} : memref<256x128xf32, #tpu.memory_space<vmem>>, vector<1x16xf32>,
      %swap3A_732 = vector.shape_cast %swap3A_731 : vector<1x16xf32> to vector<16xf32>
      %swap3A_733 = vector.shape_cast %add3A_728 : vector<16xf32> to vector<1x16xf32>
      tpu.vector_store %arg7[%swap3A_729, %swap3A_730], %swap3A_733 {strides = array<i32>} : memref<256x128xf32, #tpu.memory_space<vmem>>, vector<1x16xf32>,
      %add3A_734 = arith.constant 96 : i32
      %add3A_735 = arith.addi %add3A_734, %scan3A_300 : i32
      %get3A_736 = arith.index_cast %add3A_735 : i32 to index
      %get3A_737 = arith.constant 96 : index
      %get3A_738 = tpu.vector_load %arg7[%get3A_736, %get3A_737] {strides = array<i32>} : memref<256x128xf32, #tpu.memory_space<vmem>>, vector<1x16xf32>,
      %get3A_739 = vector.shape_cast %get3A_738 : vector<1x16xf32> to vector<16xf32>
      %mul3A_740 = arith.constant 11.3137083 : f32
      %mul3A_741 = vector.broadcast %mul3A_740 : f32 to vector<16xf32>
      %mul3A_742 = arith.mulf %get3A_739, %mul3A_741 : vector<16xf32>
      %add3A_743 = arith.addf %mul3A_742, %get3A_688 : vector<16xf32>
      %swap3A_744 = arith.index_cast %add3A_735 : i32 to index
      %swap3A_745 = arith.constant 96 : index
      %swap3A_746 = tpu.vector_load %arg7[%swap3A_744, %swap3A_745] {strides = array<i32>} : memref<256x128xf32, #tpu.memory_space<vmem>>, vector<1x16xf32>,
      %swap3A_747 = vector.shape_cast %swap3A_746 : vector<1x16xf32> to vector<16xf32>
      %swap3A_748 = vector.shape_cast %add3A_743 : vector<16xf32> to vector<1x16xf32>
      tpu.vector_store %arg7[%swap3A_744, %swap3A_745], %swap3A_748 {strides = array<i32>} : memref<256x128xf32, #tpu.memory_space<vmem>>, vector<1x16xf32>,
      %get3A_749 = arith.index_cast %add3A_302 : i32 to index
      %get3A_750 = arith.constant 112 : index
      %get3A_751 = tpu.vector_load %arg8[%get3A_749, %get3A_750] {strides = array<i32>} : memref<64x128xf32, #tpu.memory_space<vmem>>, vector<1x16xf32>,
      %get3A_752 = vector.shape_cast %get3A_751 : vector<1x16xf32> to vector<16xf32>
      %add3A_753 = arith.constant 0 : i32
      %add3A_754 = arith.addi %add3A_753, %scan3A_300 : i32
      %get3A_755 = arith.index_cast %add3A_754 : i32 to index
      %get3A_756 = arith.constant 112 : index
      %get3A_757 = tpu.vector_load %arg7[%get3A_755, %get3A_756] {strides = array<i32>} : memref<256x128xf32, #tpu.memory_space<vmem>>, vector<1x16xf32>,
      %get3A_758 = vector.shape_cast %get3A_757 : vector<1x16xf32> to vector<16xf32>
      %mul3A_759 = arith.constant 11.3137083 : f32
      %mul3A_760 = vector.broadcast %mul3A_759 : f32 to vector<16xf32>
      %mul3A_761 = arith.mulf %get3A_758, %mul3A_760 : vector<16xf32>
      %add3A_762 = arith.addf %mul3A_761, %get3A_752 : vector<16xf32>
      %swap3A_763 = arith.index_cast %add3A_754 : i32 to index
      %swap3A_764 = arith.constant 112 : index
      %swap3A_765 = tpu.vector_load %arg7[%swap3A_763, %swap3A_764] {strides = array<i32>} : memref<256x128xf32, #tpu.memory_space<vmem>>, vector<1x16xf32>,
      %swap3A_766 = vector.shape_cast %swap3A_765 : vector<1x16xf32> to vector<16xf32>
      %swap3A_767 = vector.shape_cast %add3A_762 : vector<16xf32> to vector<1x16xf32>
      tpu.vector_store %arg7[%swap3A_763, %swap3A_764], %swap3A_767 {strides = array<i32>} : memref<256x128xf32, #tpu.memory_space<vmem>>, vector<1x16xf32>,
      %add3A_768 = arith.constant 32 : i32
      %add3A_769 = arith.addi %add3A_768, %scan3A_300 : i32
      %get3A_770 = arith.index_cast %add3A_769 : i32 to index
      %get3A_771 = arith.constant 112 : index
      %get3A_772 = tpu.vector_load %arg7[%get3A_770, %get3A_771] {strides = array<i32>} : memref<256x128xf32, #tpu.memory_space<vmem>>, vector<1x16xf32>,
      %get3A_773 = vector.shape_cast %get3A_772 : vector<1x16xf32> to vector<16xf32>
      %mul3A_774 = arith.constant 11.3137083 : f32
      %mul3A_775 = vector.broadcast %mul3A_774 : f32 to vector<16xf32>
      %mul3A_776 = arith.mulf %get3A_773, %mul3A_775 : vector<16xf32>
      %add3A_777 = arith.addf %mul3A_776, %get3A_752 : vector<16xf32>
      %swap3A_778 = arith.index_cast %add3A_769 : i32 to index
      %swap3A_779 = arith.constant 112 : index
      %swap3A_780 = tpu.vector_load %arg7[%swap3A_778, %swap3A_779] {strides = array<i32>} : memref<256x128xf32, #tpu.memory_space<vmem>>, vector<1x16xf32>,
      %swap3A_781 = vector.shape_cast %swap3A_780 : vector<1x16xf32> to vector<16xf32>
      %swap3A_782 = vector.shape_cast %add3A_777 : vector<16xf32> to vector<1x16xf32>
      tpu.vector_store %arg7[%swap3A_778, %swap3A_779], %swap3A_782 {strides = array<i32>} : memref<256x128xf32, #tpu.memory_space<vmem>>, vector<1x16xf32>,
      %add3A_783 = arith.constant 64 : i32
      %add3A_784 = arith.addi %add3A_783, %scan3A_300 : i32
      %get3A_785 = arith.index_cast %add3A_784 : i32 to index
      %get3A_786 = arith.constant 112 : index
      %get3A_787 = tpu.vector_load %arg7[%get3A_785, %get3A_786] {strides = array<i32>} : memref<256x128xf32, #tpu.memory_space<vmem>>, vector<1x16xf32>,
      %get3A_788 = vector.shape_cast %get3A_787 : vector<1x16xf32> to vector<16xf32>
      %mul3A_789 = arith.constant 11.3137083 : f32
      %mul3A_790 = vector.broadcast %mul3A_789 : f32 to vector<16xf32>
      %mul3A_791 = arith.mulf %get3A_788, %mul3A_790 : vector<16xf32>
      %add3A_792 = arith.addf %mul3A_791, %get3A_752 : vector<16xf32>
      %swap3A_793 = arith.index_cast %add3A_784 : i32 to index
      %swap3A_794 = arith.constant 112 : index
      %swap3A_795 = tpu.vector_load %arg7[%swap3A_793, %swap3A_794] {strides = array<i32>} : memref<256x128xf32, #tpu.memory_space<vmem>>, vector<1x16xf32>,
      %swap3A_796 = vector.shape_cast %swap3A_795 : vector<1x16xf32> to vector<16xf32>
      %swap3A_797 = vector.shape_cast %add3A_792 : vector<16xf32> to vector<1x16xf32>
      tpu.vector_store %arg7[%swap3A_793, %swap3A_794], %swap3A_797 {strides = array<i32>} : memref<256x128xf32, #tpu.memory_space<vmem>>, vector<1x16xf32>,
      %add3A_798 = arith.constant 96 : i32
      %add3A_799 = arith.addi %add3A_798, %scan3A_300 : i32
      %get3A_800 = arith.index_cast %add3A_799 : i32 to index
      %get3A_801 = arith.constant 112 : index
      %get3A_802 = tpu.vector_load %arg7[%get3A_800, %get3A_801] {strides = array<i32>} : memref<256x128xf32, #tpu.memory_space<vmem>>, vector<1x16xf32>,
      %get3A_803 = vector.shape_cast %get3A_802 : vector<1x16xf32> to vector<16xf32>
      %mul3A_804 = arith.constant 11.3137083 : f32
      %mul3A_805 = vector.broadcast %mul3A_804 : f32 to vector<16xf32>
      %mul3A_806 = arith.mulf %get3A_803, %mul3A_805 : vector<16xf32>
      %add3A_807 = arith.addf %mul3A_806, %get3A_752 : vector<16xf32>
      %swap3A_808 = arith.index_cast %add3A_799 : i32 to index
      %swap3A_809 = arith.constant 112 : index
      %swap3A_810 = tpu.vector_load %arg7[%swap3A_808, %swap3A_809] {strides = array<i32>} : memref<256x128xf32, #tpu.memory_space<vmem>>, vector<1x16xf32>,
      %swap3A_811 = vector.shape_cast %swap3A_810 : vector<1x16xf32> to vector<16xf32>
      %swap3A_812 = vector.shape_cast %add3A_807 : vector<16xf32> to vector<1x16xf32>
      tpu.vector_store %arg7[%swap3A_808, %swap3A_809], %swap3A_812 {strides = array<i32>} : memref<256x128xf32, #tpu.memory_space<vmem>>, vector<1x16xf32>,
    }
    %scan3A_59 = arith.constant 32 : i32
    %add3A_60 = arith.constant 0 : i32
    %add3A_61 = arith.addi %mul3A_2, %add3A_60 : i32
    %dma_start3A_62 = arith.constant 0 : i32
    %dma_start3A_63 = arith.constant 0 : i32
    %dma_start3A_64 = arith.constant 0 : i32
    %dma_start3A_65 = tpu.memref_slice %arg7[%dma_start3A_63, %dma_start3A_64] : memref<256x128xf32, #tpu.memory_space<vmem>> -> memref<32x128xf32, #tpu.memory_space<vmem>>
    %dma_start3A_66 = arith.constant 0 : i32
    %dma_start3A_67 = tpu.memref_slice %arg5[%dma_start3A_62, %add3A_61, %dma_start3A_66] : memref<4x2048x128xf32, #tpu.memory_space<hbm>> -> memref<1x32x128xf32, #tpu.memory_space<hbm>>
    %dma_start3A_68 = tpu.memref_squeeze %dma_start3A_67 : memref<1x32x128xf32, #tpu.memory_space<hbm>> -> memref<32x128xf32, #tpu.memory_space<hbm>>
    %dma_start3A_69 = arith.constant 0 : i32
    %dma_start3A_70 = tpu.memref_slice %arg5[%dma_start3A_62, %add3A_61, %dma_start3A_69] : memref<4x2048x128xf32, #tpu.memory_space<hbm>> -> memref<1x32x128xf32, #tpu.memory_space<hbm>>
    %dma_start3A_71 = tpu.memref_squeeze %dma_start3A_70 : memref<1x32x128xf32, #tpu.memory_space<hbm>> -> memref<32x128xf32, #tpu.memory_space<hbm>>
    %dma_start3A_72 = arith.constant 0 : i32
    %dma_start3A_73 = arith.constant 0 : i32
    %dma_start3A_74 = tpu.memref_slice %arg7[%dma_start3A_72, %dma_start3A_73] : memref<256x128xf32, #tpu.memory_space<vmem>> -> memref<32x128xf32, #tpu.memory_space<vmem>>
    tpu.enqueue_dma source(%dma_start3A_74 : memref<32x128xf32, #tpu.memory_space<vmem>>) target(%dma_start3A_71 : memref<32x128xf32, #tpu.memory_space<hbm>>) target_semaphore(%arg13 : memref<!tpu.dma_semaphore, #tpu.memory_space<semaphore_mem>>)
    %add3A_75 = arith.constant 0 : i32
    %add3A_76 = arith.addi %mul3A_2, %add3A_75 : i32
    %dma_start3A_77 = arith.constant 1 : i32
    %dma_start3A_78 = arith.constant 32 : i32
    %dma_start3A_79 = arith.constant 0 : i32
    %dma_start3A_80 = tpu.memref_slice %arg7[%dma_start3A_78, %dma_start3A_79] : memref<256x128xf32, #tpu.memory_space<vmem>> -> memref<32x128xf32, #tpu.memory_space<vmem>>
    %dma_start3A_81 = arith.constant 0 : i32
    %dma_start3A_82 = tpu.memref_slice %arg5[%dma_start3A_77, %add3A_76, %dma_start3A_81] : memref<4x2048x128xf32, #tpu.memory_space<hbm>> -> memref<1x32x128xf32, #tpu.memory_space<hbm>>
    %dma_start3A_83 = tpu.memref_squeeze %dma_start3A_82 : memref<1x32x128xf32, #tpu.memory_space<hbm>> -> memref<32x128xf32, #tpu.memory_space<hbm>>
    %dma_start3A_84 = arith.constant 0 : i32
    %dma_start3A_85 = tpu.memref_slice %arg5[%dma_start3A_77, %add3A_76, %dma_start3A_84] : memref<4x2048x128xf32, #tpu.memory_space<hbm>> -> memref<1x32x128xf32, #tpu.memory_space<hbm>>
    %dma_start3A_86 = tpu.memref_squeeze %dma_start3A_85 : memref<1x32x128xf32, #tpu.memory_space<hbm>> -> memref<32x128xf32, #tpu.memory_space<hbm>>
    %dma_start3A_87 = arith.constant 32 : i32
    %dma_start3A_88 = arith.constant 0 : i32
    %dma_start3A_89 = tpu.memref_slice %arg7[%dma_start3A_87, %dma_start3A_88] : memref<256x128xf32, #tpu.memory_space<vmem>> -> memref<32x128xf32, #tpu.memory_space<vmem>>
    tpu.enqueue_dma source(%dma_start3A_89 : memref<32x128xf32, #tpu.memory_space<vmem>>) target(%dma_start3A_86 : memref<32x128xf32, #tpu.memory_space<hbm>>) target_semaphore(%arg13 : memref<!tpu.dma_semaphore, #tpu.memory_space<semaphore_mem>>)
    %add3A_90 = arith.constant 0 : i32
    %add3A_91 = arith.addi %mul3A_2, %add3A_90 : i32
    %dma_start3A_92 = arith.constant 2 : i32
    %dma_start3A_93 = arith.constant 64 : i32
    %dma_start3A_94 = arith.constant 0 : i32
    %dma_start3A_95 = tpu.memref_slice %arg7[%dma_start3A_93, %dma_start3A_94] : memref<256x128xf32, #tpu.memory_space<vmem>> -> memref<32x128xf32, #tpu.memory_space<vmem>>
    %dma_start3A_96 = arith.constant 0 : i32
    %dma_start3A_97 = tpu.memref_slice %arg5[%dma_start3A_92, %add3A_91, %dma_start3A_96] : memref<4x2048x128xf32, #tpu.memory_space<hbm>> -> memref<1x32x128xf32, #tpu.memory_space<hbm>>
    %dma_start3A_98 = tpu.memref_squeeze %dma_start3A_97 : memref<1x32x128xf32, #tpu.memory_space<hbm>> -> memref<32x128xf32, #tpu.memory_space<hbm>>
    %dma_start3A_99 = arith.constant 0 : i32
    %dma_start3A_100 = tpu.memref_slice %arg5[%dma_start3A_92, %add3A_91, %dma_start3A_99] : memref<4x2048x128xf32, #tpu.memory_space<hbm>> -> memref<1x32x128xf32, #tpu.memory_space<hbm>>
    %dma_start3A_101 = tpu.memref_squeeze %dma_start3A_100 : memref<1x32x128xf32, #tpu.memory_space<hbm>> -> memref<32x128xf32, #tpu.memory_space<hbm>>
    %dma_start3A_102 = arith.constant 64 : i32
    %dma_start3A_103 = arith.constant 0 : i32
    %dma_start3A_104 = tpu.memref_slice %arg7[%dma_start3A_102, %dma_start3A_103] : memref<256x128xf32, #tpu.memory_space<vmem>> -> memref<32x128xf32, #tpu.memory_space<vmem>>
    tpu.enqueue_dma source(%dma_start3A_104 : memref<32x128xf32, #tpu.memory_space<vmem>>) target(%dma_start3A_101 : memref<32x128xf32, #tpu.memory_space<hbm>>) target_semaphore(%arg13 : memref<!tpu.dma_semaphore, #tpu.memory_space<semaphore_mem>>)
    %add3A_105 = arith.constant 0 : i32
    %add3A_106 = arith.addi %mul3A_2, %add3A_105 : i32
    %dma_start3A_107 = arith.constant 3 : i32
    %dma_start3A_108 = arith.constant 96 : i32
    %dma_start3A_109 = arith.constant 0 : i32
    %dma_start3A_110 = tpu.memref_slice %arg7[%dma_start3A_108, %dma_start3A_109] : memref<256x128xf32, #tpu.memory_space<vmem>> -> memref<32x128xf32, #tpu.memory_space<vmem>>
    %dma_start3A_111 = arith.constant 0 : i32
    %dma_start3A_112 = tpu.memref_slice %arg5[%dma_start3A_107, %add3A_106, %dma_start3A_111] : memref<4x2048x128xf32, #tpu.memory_space<hbm>> -> memref<1x32x128xf32, #tpu.memory_space<hbm>>
    %dma_start3A_113 = tpu.memref_squeeze %dma_start3A_112 : memref<1x32x128xf32, #tpu.memory_space<hbm>> -> memref<32x128xf32, #tpu.memory_space<hbm>>
    %dma_start3A_114 = arith.constant 0 : i32
    %dma_start3A_115 = tpu.memref_slice %arg5[%dma_start3A_107, %add3A_106, %dma_start3A_114] : memref<4x2048x128xf32, #tpu.memory_space<hbm>> -> memref<1x32x128xf32, #tpu.memory_space<hbm>>
    %dma_start3A_116 = tpu.memref_squeeze %dma_start3A_115 : memref<1x32x128xf32, #tpu.memory_space<hbm>> -> memref<32x128xf32, #tpu.memory_space<hbm>>
    %dma_start3A_117 = arith.constant 96 : i32
    %dma_start3A_118 = arith.constant 0 : i32
    %dma_start3A_119 = tpu.memref_slice %arg7[%dma_start3A_117, %dma_start3A_118] : memref<256x128xf32, #tpu.memory_space<vmem>> -> memref<32x128xf32, #tpu.memory_space<vmem>>
    tpu.enqueue_dma source(%dma_start3A_119 : memref<32x128xf32, #tpu.memory_space<vmem>>) target(%dma_start3A_116 : memref<32x128xf32, #tpu.memory_space<hbm>>) target_semaphore(%arg13 : memref<!tpu.dma_semaphore, #tpu.memory_space<semaphore_mem>>)
    %dma_wait3A_120 = arith.constant 1 : i32
    %dma_wait3A_121 = arith.constant 128 : i32
    %dma_wait3A_122 = arith.constant 0 : i32
    %dma_wait3A_123 = tpu.memref_slice %arg7[%dma_wait3A_121, %dma_wait3A_122] : memref<256x128xf32, #tpu.memory_space<vmem>> -> memref<128x128xf32, #tpu.memory_space<vmem>>
    %dma_wait3A_124 = arith.constant 0 : i32
    %dma_wait3A_125 = tpu.memref_slice %arg6[%dma_wait3A_120, %dma_wait3A_124] : memref<2x128xi32, #tpu.memory_space<vmem>> -> memref<1x128xi32, #tpu.memory_space<vmem>>
    %dma_wait3A_126 = tpu.memref_squeeze %dma_wait3A_125 : memref<1x128xi32, #tpu.memory_space<vmem>> -> memref<128xi32, #tpu.memory_space<vmem>>
    %dma_wait3A_127 = arith.constant 0 : i32
    %dma_wait3A_128 = arith.constant 0 : i32
    %dma_wait3A_129 = tpu.memref_slice %arg3[%dma_wait3A_127, %dma_wait3A_128] : memref<100000x128xf32, #tpu.memory_space<hbm>> -> memref<100000x128xf32, #tpu.memory_space<hbm>>
    tpu.wait_indirect_dma semaphore(%arg12 : memref<!tpu.dma_semaphore, #tpu.memory_space<semaphore_mem>>) src(%dma_wait3A_129 : memref<100000x128xf32, #tpu.memory_space<hbm>>) dst(%dma_wait3A_123 : memref<128x128xf32, #tpu.memory_space<vmem>>)
    %scan3A_130 = arith.constant 0 : i32
    %scan3A_131 = arith.constant 0 : i32
    %scan3A_132 = arith.constant 32 : i32
    %scan3A_133 = arith.addi %scan3A_131, %scan3A_132 : i32
    %scan3A_134 = arith.constant 1 : i32
    scf.for %scan3A_300 = %scan3A_131 to %scan3A_133 step %scan3A_134  : i32 {
      %add3A_301 = arith.constant 32 : i32
      %add3A_302 = arith.addi %add3A_301, %scan3A_300 : i32
      %get3A = arith.index_cast %add3A_302 : i32 to index
      %get3A_303 = arith.constant 0 : index
      %get3A_304 = tpu.vector_load %arg8[%get3A, %get3A_303] {strides = array<i32>} : memref<64x128xf32, #tpu.memory_space<vmem>>, vector<1x16xf32>,
      %get3A_305 = vector.shape_cast %get3A_304 : vector<1x16xf32> to vector<16xf32>
      %add3A_306 = arith.constant 128 : i32
      %add3A_307 = arith.addi %add3A_306, %scan3A_300 : i32
      %get3A_308 = arith.index_cast %add3A_307 : i32 to index
      %get3A_309 = arith.constant 0 : index
      %get3A_310 = tpu.vector_load %arg7[%get3A_308, %get3A_309] {strides = array<i32>} : memref<256x128xf32, #tpu.memory_space<vmem>>, vector<1x16xf32>,
      %get3A_311 = vector.shape_cast %get3A_310 : vector<1x16xf32> to vector<16xf32>
      %mul3A_312 = arith.constant 11.3137083 : f32
      %mul3A_313 = vector.broadcast %mul3A_312 : f32 to vector<16xf32>
      %mul3A_314 = arith.mulf %get3A_311, %mul3A_313 : vector<16xf32>
      %add3A_315 = arith.addf %mul3A_314, %get3A_305 : vector<16xf32>
      %swap3A = arith.index_cast %add3A_307 : i32 to index
      %swap3A_316 = arith.constant 0 : index
      %swap3A_317 = tpu.vector_load %arg7[%swap3A, %swap3A_316] {strides = array<i32>} : memref<256x128xf32, #tpu.memory_space<vmem>>, vector<1x16xf32>,
      %swap3A_318 = vector.shape_cast %swap3A_317 : vector<1x16xf32> to vector<16xf32>
      %swap3A_319 = vector.shape_cast %add3A_315 : vector<16xf32> to vector<1x16xf32>
      tpu.vector_store %arg7[%swap3A, %swap3A_316], %swap3A_319 {strides = array<i32>} : memref<256x128xf32, #tpu.memory_space<vmem>>, vector<1x16xf32>,
      %add3A_320 = arith.constant 160 : i32
      %add3A_321 = arith.addi %add3A_320, %scan3A_300 : i32
      %get3A_322 = arith.index_cast %add3A_321 : i32 to index
      %get3A_323 = arith.constant 0 : index
      %get3A_324 = tpu.vector_load %arg7[%get3A_322, %get3A_323] {strides = array<i32>} : memref<256x128xf32, #tpu.memory_space<vmem>>, vector<1x16xf32>,
      %get3A_325 = vector.shape_cast %get3A_324 : vector<1x16xf32> to vector<16xf32>
      %mul3A_326 = arith.constant 11.3137083 : f32
      %mul3A_327 = vector.broadcast %mul3A_326 : f32 to vector<16xf32>
      %mul3A_328 = arith.mulf %get3A_325, %mul3A_327 : vector<16xf32>
      %add3A_329 = arith.addf %mul3A_328, %get3A_305 : vector<16xf32>
      %swap3A_330 = arith.index_cast %add3A_321 : i32 to index
      %swap3A_331 = arith.constant 0 : index
      %swap3A_332 = tpu.vector_load %arg7[%swap3A_330, %swap3A_331] {strides = array<i32>} : memref<256x128xf32, #tpu.memory_space<vmem>>, vector<1x16xf32>,
      %swap3A_333 = vector.shape_cast %swap3A_332 : vector<1x16xf32> to vector<16xf32>
      %swap3A_334 = vector.shape_cast %add3A_329 : vector<16xf32> to vector<1x16xf32>
      tpu.vector_store %arg7[%swap3A_330, %swap3A_331], %swap3A_334 {strides = array<i32>} : memref<256x128xf32, #tpu.memory_space<vmem>>, vector<1x16xf32>,
      %add3A_335 = arith.constant 192 : i32
      %add3A_336 = arith.addi %add3A_335, %scan3A_300 : i32
      %get3A_337 = arith.index_cast %add3A_336 : i32 to index
      %get3A_338 = arith.constant 0 : index
      %get3A_339 = tpu.vector_load %arg7[%get3A_337, %get3A_338] {strides = array<i32>} : memref<256x128xf32, #tpu.memory_space<vmem>>, vector<1x16xf32>,
      %get3A_340 = vector.shape_cast %get3A_339 : vector<1x16xf32> to vector<16xf32>
      %mul3A_341 = arith.constant 11.3137083 : f32
      %mul3A_342 = vector.broadcast %mul3A_341 : f32 to vector<16xf32>
      %mul3A_343 = arith.mulf %get3A_340, %mul3A_342 : vector<16xf32>
      %add3A_344 = arith.addf %mul3A_343, %get3A_305 : vector<16xf32>
      %swap3A_345 = arith.index_cast %add3A_336 : i32 to index
      %swap3A_346 = arith.constant 0 : index
      %swap3A_347 = tpu.vector_load %arg7[%swap3A_345, %swap3A_346] {strides = array<i32>} : memref<256x128xf32, #tpu.memory_space<vmem>>, vector<1x16xf32>,
      %swap3A_348 = vector.shape_cast %swap3A_347 : vector<1x16xf32> to vector<16xf32>
      %swap3A_349 = vector.shape_cast %add3A_344 : vector<16xf32> to vector<1x16xf32>
      tpu.vector_store %arg7[%swap3A_345, %swap3A_346], %swap3A_349 {strides = array<i32>} : memref<256x128xf32, #tpu.memory_space<vmem>>, vector<1x16xf32>,
      %add3A_350 = arith.constant 224 : i32
      %add3A_351 = arith.addi %add3A_350, %scan3A_300 : i32
      %get3A_352 = arith.index_cast %add3A_351 : i32 to index
      %get3A_353 = arith.constant 0 : index
      %get3A_354 = tpu.vector_load %arg7[%get3A_352, %get3A_353] {strides = array<i32>} : memref<256x128xf32, #tpu.memory_space<vmem>>, vector<1x16xf32>,
      %get3A_355 = vector.shape_cast %get3A_354 : vector<1x16xf32> to vector<16xf32>
      %mul3A_356 = arith.constant 11.3137083 : f32
      %mul3A_357 = vector.broadcast %mul3A_356 : f32 to vector<16xf32>
      %mul3A_358 = arith.mulf %get3A_355, %mul3A_357 : vector<16xf32>
      %add3A_359 = arith.addf %mul3A_358, %get3A_305 : vector<16xf32>
      %swap3A_360 = arith.index_cast %add3A_351 : i32 to index
      %swap3A_361 = arith.constant 0 : index
      %swap3A_362 = tpu.vector_load %arg7[%swap3A_360, %swap3A_361] {strides = array<i32>} : memref<256x128xf32, #tpu.memory_space<vmem>>, vector<1x16xf32>,
      %swap3A_363 = vector.shape_cast %swap3A_362 : vector<1x16xf32> to vector<16xf32>
      %swap3A_364 = vector.shape_cast %add3A_359 : vector<16xf32> to vector<1x16xf32>
      tpu.vector_store %arg7[%swap3A_360, %swap3A_361], %swap3A_364 {strides = array<i32>} : memref<256x128xf32, #tpu.memory_space<vmem>>, vector<1x16xf32>,
      %get3A_365 = arith.index_cast %add3A_302 : i32 to index
      %get3A_366 = arith.constant 16 : index
      %get3A_367 = tpu.vector_load %arg8[%get3A_365, %get3A_366] {strides = array<i32>} : memref<64x128xf32, #tpu.memory_space<vmem>>, vector<1x16xf32>,
      %get3A_368 = vector.shape_cast %get3A_367 : vector<1x16xf32> to vector<16xf32>
      %add3A_369 = arith.constant 128 : i32
      %add3A_370 = arith.addi %add3A_369, %scan3A_300 : i32
      %get3A_371 = arith.index_cast %add3A_370 : i32 to index
      %get3A_372 = arith.constant 16 : index
      %get3A_373 = tpu.vector_load %arg7[%get3A_371, %get3A_372] {strides = array<i32>} : memref<256x128xf32, #tpu.memory_space<vmem>>, vector<1x16xf32>,
      %get3A_374 = vector.shape_cast %get3A_373 : vector<1x16xf32> to vector<16xf32>
      %mul3A_375 = arith.constant 11.3137083 : f32
      %mul3A_376 = vector.broadcast %mul3A_375 : f32 to vector<16xf32>
      %mul3A_377 = arith.mulf %get3A_374, %mul3A_376 : vector<16xf32>
      %add3A_378 = arith.addf %mul3A_377, %get3A_368 : vector<16xf32>
      %swap3A_379 = arith.index_cast %add3A_370 : i32 to index
      %swap3A_380 = arith.constant 16 : index
      %swap3A_381 = tpu.vector_load %arg7[%swap3A_379, %swap3A_380] {strides = array<i32>} : memref<256x128xf32, #tpu.memory_space<vmem>>, vector<1x16xf32>,
      %swap3A_382 = vector.shape_cast %swap3A_381 : vector<1x16xf32> to vector<16xf32>
      %swap3A_383 = vector.shape_cast %add3A_378 : vector<16xf32> to vector<1x16xf32>
      tpu.vector_store %arg7[%swap3A_379, %swap3A_380], %swap3A_383 {strides = array<i32>} : memref<256x128xf32, #tpu.memory_space<vmem>>, vector<1x16xf32>,
      %add3A_384 = arith.constant 160 : i32
      %add3A_385 = arith.addi %add3A_384, %scan3A_300 : i32
      %get3A_386 = arith.index_cast %add3A_385 : i32 to index
      %get3A_387 = arith.constant 16 : index
      %get3A_388 = tpu.vector_load %arg7[%get3A_386, %get3A_387] {strides = array<i32>} : memref<256x128xf32, #tpu.memory_space<vmem>>, vector<1x16xf32>,
      %get3A_389 = vector.shape_cast %get3A_388 : vector<1x16xf32> to vector<16xf32>
      %mul3A_390 = arith.constant 11.3137083 : f32
      %mul3A_391 = vector.broadcast %mul3A_390 : f32 to vector<16xf32>
      %mul3A_392 = arith.mulf %get3A_389, %mul3A_391 : vector<16xf32>
      %add3A_393 = arith.addf %mul3A_392, %get3A_368 : vector<16xf32>
      %swap3A_394 = arith.index_cast %add3A_385 : i32 to index
      %swap3A_395 = arith.constant 16 : index
      %swap3A_396 = tpu.vector_load %arg7[%swap3A_394, %swap3A_395] {strides = array<i32>} : memref<256x128xf32, #tpu.memory_space<vmem>>, vector<1x16xf32>,
      %swap3A_397 = vector.shape_cast %swap3A_396 : vector<1x16xf32> to vector<16xf32>
      %swap3A_398 = vector.shape_cast %add3A_393 : vector<16xf32> to vector<1x16xf32>
      tpu.vector_store %arg7[%swap3A_394, %swap3A_395], %swap3A_398 {strides = array<i32>} : memref<256x128xf32, #tpu.memory_space<vmem>>, vector<1x16xf32>,
      %add3A_399 = arith.constant 192 : i32
      %add3A_400 = arith.addi %add3A_399, %scan3A_300 : i32
      %get3A_401 = arith.index_cast %add3A_400 : i32 to index
      %get3A_402 = arith.constant 16 : index
      %get3A_403 = tpu.vector_load %arg7[%get3A_401, %get3A_402] {strides = array<i32>} : memref<256x128xf32, #tpu.memory_space<vmem>>, vector<1x16xf32>,
      %get3A_404 = vector.shape_cast %get3A_403 : vector<1x16xf32> to vector<16xf32>
      %mul3A_405 = arith.constant 11.3137083 : f32
      %mul3A_406 = vector.broadcast %mul3A_405 : f32 to vector<16xf32>
      %mul3A_407 = arith.mulf %get3A_404, %mul3A_406 : vector<16xf32>
      %add3A_408 = arith.addf %mul3A_407, %get3A_368 : vector<16xf32>
      %swap3A_409 = arith.index_cast %add3A_400 : i32 to index
      %swap3A_410 = arith.constant 16 : index
      %swap3A_411 = tpu.vector_load %arg7[%swap3A_409, %swap3A_410] {strides = array<i32>} : memref<256x128xf32, #tpu.memory_space<vmem>>, vector<1x16xf32>,
      %swap3A_412 = vector.shape_cast %swap3A_411 : vector<1x16xf32> to vector<16xf32>
      %swap3A_413 = vector.shape_cast %add3A_408 : vector<16xf32> to vector<1x16xf32>
      tpu.vector_store %arg7[%swap3A_409, %swap3A_410], %swap3A_413 {strides = array<i32>} : memref<256x128xf32, #tpu.memory_space<vmem>>, vector<1x16xf32>,
      %add3A_414 = arith.constant 224 : i32
      %add3A_415 = arith.addi %add3A_414, %scan3A_300 : i32
      %get3A_416 = arith.index_cast %add3A_415 : i32 to index
      %get3A_417 = arith.constant 16 : index
      %get3A_418 = tpu.vector_load %arg7[%get3A_416, %get3A_417] {strides = array<i32>} : memref<256x128xf32, #tpu.memory_space<vmem>>, vector<1x16xf32>,
      %get3A_419 = vector.shape_cast %get3A_418 : vector<1x16xf32> to vector<16xf32>
      %mul3A_420 = arith.constant 11.3137083 : f32
      %mul3A_421 = vector.broadcast %mul3A_420 : f32 to vector<16xf32>
      %mul3A_422 = arith.mulf %get3A_419, %mul3A_421 : vector<16xf32>
      %add3A_423 = arith.addf %mul3A_422, %get3A_368 : vector<16xf32>
      %swap3A_424 = arith.index_cast %add3A_415 : i32 to index
      %swap3A_425 = arith.constant 16 : index
      %swap3A_426 = tpu.vector_load %arg7[%swap3A_424, %swap3A_425] {strides = array<i32>} : memref<256x128xf32, #tpu.memory_space<vmem>>, vector<1x16xf32>,
      %swap3A_427 = vector.shape_cast %swap3A_426 : vector<1x16xf32> to vector<16xf32>
      %swap3A_428 = vector.shape_cast %add3A_423 : vector<16xf32> to vector<1x16xf32>
      tpu.vector_store %arg7[%swap3A_424, %swap3A_425], %swap3A_428 {strides = array<i32>} : memref<256x128xf32, #tpu.memory_space<vmem>>, vector<1x16xf32>,
      %get3A_429 = arith.index_cast %add3A_302 : i32 to index
      %get3A_430 = arith.constant 32 : index
      %get3A_431 = tpu.vector_load %arg8[%get3A_429, %get3A_430] {strides = array<i32>} : memref<64x128xf32, #tpu.memory_space<vmem>>, vector<1x16xf32>,
      %get3A_432 = vector.shape_cast %get3A_431 : vector<1x16xf32> to vector<16xf32>
      %add3A_433 = arith.constant 128 : i32
      %add3A_434 = arith.addi %add3A_433, %scan3A_300 : i32
      %get3A_435 = arith.index_cast %add3A_434 : i32 to index
      %get3A_436 = arith.constant 32 : index
      %get3A_437 = tpu.vector_load %arg7[%get3A_435, %get3A_436] {strides = array<i32>} : memref<256x128xf32, #tpu.memory_space<vmem>>, vector<1x16xf32>,
      %get3A_438 = vector.shape_cast %get3A_437 : vector<1x16xf32> to vector<16xf32>
      %mul3A_439 = arith.constant 11.3137083 : f32
      %mul3A_440 = vector.broadcast %mul3A_439 : f32 to vector<16xf32>
      %mul3A_441 = arith.mulf %get3A_438, %mul3A_440 : vector<16xf32>
      %add3A_442 = arith.addf %mul3A_441, %get3A_432 : vector<16xf32>
      %swap3A_443 = arith.index_cast %add3A_434 : i32 to index
      %swap3A_444 = arith.constant 32 : index
      %swap3A_445 = tpu.vector_load %arg7[%swap3A_443, %swap3A_444] {strides = array<i32>} : memref<256x128xf32, #tpu.memory_space<vmem>>, vector<1x16xf32>,
      %swap3A_446 = vector.shape_cast %swap3A_445 : vector<1x16xf32> to vector<16xf32>
      %swap3A_447 = vector.shape_cast %add3A_442 : vector<16xf32> to vector<1x16xf32>
      tpu.vector_store %arg7[%swap3A_443, %swap3A_444], %swap3A_447 {strides = array<i32>} : memref<256x128xf32, #tpu.memory_space<vmem>>, vector<1x16xf32>,
      %add3A_448 = arith.constant 160 : i32
      %add3A_449 = arith.addi %add3A_448, %scan3A_300 : i32
      %get3A_450 = arith.index_cast %add3A_449 : i32 to index
      %get3A_451 = arith.constant 32 : index
      %get3A_452 = tpu.vector_load %arg7[%get3A_450, %get3A_451] {strides = array<i32>} : memref<256x128xf32, #tpu.memory_space<vmem>>, vector<1x16xf32>,
      %get3A_453 = vector.shape_cast %get3A_452 : vector<1x16xf32> to vector<16xf32>
      %mul3A_454 = arith.constant 11.3137083 : f32
      %mul3A_455 = vector.broadcast %mul3A_454 : f32 to vector<16xf32>
      %mul3A_456 = arith.mulf %get3A_453, %mul3A_455 : vector<16xf32>
      %add3A_457 = arith.addf %mul3A_456, %get3A_432 : vector<16xf32>
      %swap3A_458 = arith.index_cast %add3A_449 : i32 to index
      %swap3A_459 = arith.constant 32 : index
      %swap3A_460 = tpu.vector_load %arg7[%swap3A_458, %swap3A_459] {strides = array<i32>} : memref<256x128xf32, #tpu.memory_space<vmem>>, vector<1x16xf32>,
      %swap3A_461 = vector.shape_cast %swap3A_460 : vector<1x16xf32> to vector<16xf32>
      %swap3A_462 = vector.shape_cast %add3A_457 : vector<16xf32> to vector<1x16xf32>
      tpu.vector_store %arg7[%swap3A_458, %swap3A_459], %swap3A_462 {strides = array<i32>} : memref<256x128xf32, #tpu.memory_space<vmem>>, vector<1x16xf32>,
      %add3A_463 = arith.constant 192 : i32
      %add3A_464 = arith.addi %add3A_463, %scan3A_300 : i32
      %get3A_465 = arith.index_cast %add3A_464 : i32 to index
      %get3A_466 = arith.constant 32 : index
      %get3A_467 = tpu.vector_load %arg7[%get3A_465, %get3A_466] {strides = array<i32>} : memref<256x128xf32, #tpu.memory_space<vmem>>, vector<1x16xf32>,
      %get3A_468 = vector.shape_cast %get3A_467 : vector<1x16xf32> to vector<16xf32>
      %mul3A_469 = arith.constant 11.3137083 : f32
      %mul3A_470 = vector.broadcast %mul3A_469 : f32 to vector<16xf32>
      %mul3A_471 = arith.mulf %get3A_468, %mul3A_470 : vector<16xf32>
      %add3A_472 = arith.addf %mul3A_471, %get3A_432 : vector<16xf32>
      %swap3A_473 = arith.index_cast %add3A_464 : i32 to index
      %swap3A_474 = arith.constant 32 : index
      %swap3A_475 = tpu.vector_load %arg7[%swap3A_473, %swap3A_474] {strides = array<i32>} : memref<256x128xf32, #tpu.memory_space<vmem>>, vector<1x16xf32>,
      %swap3A_476 = vector.shape_cast %swap3A_475 : vector<1x16xf32> to vector<16xf32>
      %swap3A_477 = vector.shape_cast %add3A_472 : vector<16xf32> to vector<1x16xf32>
      tpu.vector_store %arg7[%swap3A_473, %swap3A_474], %swap3A_477 {strides = array<i32>} : memref<256x128xf32, #tpu.memory_space<vmem>>, vector<1x16xf32>,
      %add3A_478 = arith.constant 224 : i32
      %add3A_479 = arith.addi %add3A_478, %scan3A_300 : i32
      %get3A_480 = arith.index_cast %add3A_479 : i32 to index
      %get3A_481 = arith.constant 32 : index
      %get3A_482 = tpu.vector_load %arg7[%get3A_480, %get3A_481] {strides = array<i32>} : memref<256x128xf32, #tpu.memory_space<vmem>>, vector<1x16xf32>,
      %get3A_483 = vector.shape_cast %get3A_482 : vector<1x16xf32> to vector<16xf32>
      %mul3A_484 = arith.constant 11.3137083 : f32
      %mul3A_485 = vector.broadcast %mul3A_484 : f32 to vector<16xf32>
      %mul3A_486 = arith.mulf %get3A_483, %mul3A_485 : vector<16xf32>
      %add3A_487 = arith.addf %mul3A_486, %get3A_432 : vector<16xf32>
      %swap3A_488 = arith.index_cast %add3A_479 : i32 to index
      %swap3A_489 = arith.constant 32 : index
      %swap3A_490 = tpu.vector_load %arg7[%swap3A_488, %swap3A_489] {strides = array<i32>} : memref<256x128xf32, #tpu.memory_space<vmem>>, vector<1x16xf32>,
      %swap3A_491 = vector.shape_cast %swap3A_490 : vector<1x16xf32> to vector<16xf32>
      %swap3A_492 = vector.shape_cast %add3A_487 : vector<16xf32> to vector<1x16xf32>
      tpu.vector_store %arg7[%swap3A_488, %swap3A_489], %swap3A_492 {strides = array<i32>} : memref<256x128xf32, #tpu.memory_space<vmem>>, vector<1x16xf32>,
      %get3A_493 = arith.index_cast %add3A_302 : i32 to index
      %get3A_494 = arith.constant 48 : index
      %get3A_495 = tpu.vector_load %arg8[%get3A_493, %get3A_494] {strides = array<i32>} : memref<64x128xf32, #tpu.memory_space<vmem>>, vector<1x16xf32>,
      %get3A_496 = vector.shape_cast %get3A_495 : vector<1x16xf32> to vector<16xf32>
      %add3A_497 = arith.constant 128 : i32
      %add3A_498 = arith.addi %add3A_497, %scan3A_300 : i32
      %get3A_499 = arith.index_cast %add3A_498 : i32 to index
      %get3A_500 = arith.constant 48 : index
      %get3A_501 = tpu.vector_load %arg7[%get3A_499, %get3A_500] {strides = array<i32>} : memref<256x128xf32, #tpu.memory_space<vmem>>, vector<1x16xf32>,
      %get3A_502 = vector.shape_cast %get3A_501 : vector<1x16xf32> to vector<16xf32>
      %mul3A_503 = arith.constant 11.3137083 : f32
      %mul3A_504 = vector.broadcast %mul3A_503 : f32 to vector<16xf32>
      %mul3A_505 = arith.mulf %get3A_502, %mul3A_504 : vector<16xf32>
      %add3A_506 = arith.addf %mul3A_505, %get3A_496 : vector<16xf32>
      %swap3A_507 = arith.index_cast %add3A_498 : i32 to index
      %swap3A_508 = arith.constant 48 : index
      %swap3A_509 = tpu.vector_load %arg7[%swap3A_507, %swap3A_508] {strides = array<i32>} : memref<256x128xf32, #tpu.memory_space<vmem>>, vector<1x16xf32>,
      %swap3A_510 = vector.shape_cast %swap3A_509 : vector<1x16xf32> to vector<16xf32>
      %swap3A_511 = vector.shape_cast %add3A_506 : vector<16xf32> to vector<1x16xf32>
      tpu.vector_store %arg7[%swap3A_507, %swap3A_508], %swap3A_511 {strides = array<i32>} : memref<256x128xf32, #tpu.memory_space<vmem>>, vector<1x16xf32>,
      %add3A_512 = arith.constant 160 : i32
      %add3A_513 = arith.addi %add3A_512, %scan3A_300 : i32
      %get3A_514 = arith.index_cast %add3A_513 : i32 to index
      %get3A_515 = arith.constant 48 : index
      %get3A_516 = tpu.vector_load %arg7[%get3A_514, %get3A_515] {strides = array<i32>} : memref<256x128xf32, #tpu.memory_space<vmem>>, vector<1x16xf32>,
      %get3A_517 = vector.shape_cast %get3A_516 : vector<1x16xf32> to vector<16xf32>
      %mul3A_518 = arith.constant 11.3137083 : f32
      %mul3A_519 = vector.broadcast %mul3A_518 : f32 to vector<16xf32>
      %mul3A_520 = arith.mulf %get3A_517, %mul3A_519 : vector<16xf32>
      %add3A_521 = arith.addf %mul3A_520, %get3A_496 : vector<16xf32>
      %swap3A_522 = arith.index_cast %add3A_513 : i32 to index
      %swap3A_523 = arith.constant 48 : index
      %swap3A_524 = tpu.vector_load %arg7[%swap3A_522, %swap3A_523] {strides = array<i32>} : memref<256x128xf32, #tpu.memory_space<vmem>>, vector<1x16xf32>,
      %swap3A_525 = vector.shape_cast %swap3A_524 : vector<1x16xf32> to vector<16xf32>
      %swap3A_526 = vector.shape_cast %add3A_521 : vector<16xf32> to vector<1x16xf32>
      tpu.vector_store %arg7[%swap3A_522, %swap3A_523], %swap3A_526 {strides = array<i32>} : memref<256x128xf32, #tpu.memory_space<vmem>>, vector<1x16xf32>,
      %add3A_527 = arith.constant 192 : i32
      %add3A_528 = arith.addi %add3A_527, %scan3A_300 : i32
      %get3A_529 = arith.index_cast %add3A_528 : i32 to index
      %get3A_530 = arith.constant 48 : index
      %get3A_531 = tpu.vector_load %arg7[%get3A_529, %get3A_530] {strides = array<i32>} : memref<256x128xf32, #tpu.memory_space<vmem>>, vector<1x16xf32>,
      %get3A_532 = vector.shape_cast %get3A_531 : vector<1x16xf32> to vector<16xf32>
      %mul3A_533 = arith.constant 11.3137083 : f32
      %mul3A_534 = vector.broadcast %mul3A_533 : f32 to vector<16xf32>
      %mul3A_535 = arith.mulf %get3A_532, %mul3A_534 : vector<16xf32>
      %add3A_536 = arith.addf %mul3A_535, %get3A_496 : vector<16xf32>
      %swap3A_537 = arith.index_cast %add3A_528 : i32 to index
      %swap3A_538 = arith.constant 48 : index
      %swap3A_539 = tpu.vector_load %arg7[%swap3A_537, %swap3A_538] {strides = array<i32>} : memref<256x128xf32, #tpu.memory_space<vmem>>, vector<1x16xf32>,
      %swap3A_540 = vector.shape_cast %swap3A_539 : vector<1x16xf32> to vector<16xf32>
      %swap3A_541 = vector.shape_cast %add3A_536 : vector<16xf32> to vector<1x16xf32>
      tpu.vector_store %arg7[%swap3A_537, %swap3A_538], %swap3A_541 {strides = array<i32>} : memref<256x128xf32, #tpu.memory_space<vmem>>, vector<1x16xf32>,
      %add3A_542 = arith.constant 224 : i32
      %add3A_543 = arith.addi %add3A_542, %scan3A_300 : i32
      %get3A_544 = arith.index_cast %add3A_543 : i32 to index
      %get3A_545 = arith.constant 48 : index
      %get3A_546 = tpu.vector_load %arg7[%get3A_544, %get3A_545] {strides = array<i32>} : memref<256x128xf32, #tpu.memory_space<vmem>>, vector<1x16xf32>,
      %get3A_547 = vector.shape_cast %get3A_546 : vector<1x16xf32> to vector<16xf32>
      %mul3A_548 = arith.constant 11.3137083 : f32
      %mul3A_549 = vector.broadcast %mul3A_548 : f32 to vector<16xf32>
      %mul3A_550 = arith.mulf %get3A_547, %mul3A_549 : vector<16xf32>
      %add3A_551 = arith.addf %mul3A_550, %get3A_496 : vector<16xf32>
      %swap3A_552 = arith.index_cast %add3A_543 : i32 to index
      %swap3A_553 = arith.constant 48 : index
      %swap3A_554 = tpu.vector_load %arg7[%swap3A_552, %swap3A_553] {strides = array<i32>} : memref<256x128xf32, #tpu.memory_space<vmem>>, vector<1x16xf32>,
      %swap3A_555 = vector.shape_cast %swap3A_554 : vector<1x16xf32> to vector<16xf32>
      %swap3A_556 = vector.shape_cast %add3A_551 : vector<16xf32> to vector<1x16xf32>
      tpu.vector_store %arg7[%swap3A_552, %swap3A_553], %swap3A_556 {strides = array<i32>} : memref<256x128xf32, #tpu.memory_space<vmem>>, vector<1x16xf32>,
      %get3A_557 = arith.index_cast %add3A_302 : i32 to index
      %get3A_558 = arith.constant 64 : index
      %get3A_559 = tpu.vector_load %arg8[%get3A_557, %get3A_558] {strides = array<i32>} : memref<64x128xf32, #tpu.memory_space<vmem>>, vector<1x16xf32>,
      %get3A_560 = vector.shape_cast %get3A_559 : vector<1x16xf32> to vector<16xf32>
      %add3A_561 = arith.constant 128 : i32
      %add3A_562 = arith.addi %add3A_561, %scan3A_300 : i32
      %get3A_563 = arith.index_cast %add3A_562 : i32 to index
      %get3A_564 = arith.constant 64 : index
      %get3A_565 = tpu.vector_load %arg7[%get3A_563, %get3A_564] {strides = array<i32>} : memref<256x128xf32, #tpu.memory_space<vmem>>, vector<1x16xf32>,
      %get3A_566 = vector.shape_cast %get3A_565 : vector<1x16xf32> to vector<16xf32>
      %mul3A_567 = arith.constant 11.3137083 : f32
      %mul3A_568 = vector.broadcast %mul3A_567 : f32 to vector<16xf32>
      %mul3A_569 = arith.mulf %get3A_566, %mul3A_568 : vector<16xf32>
      %add3A_570 = arith.addf %mul3A_569, %get3A_560 : vector<16xf32>
      %swap3A_571 = arith.index_cast %add3A_562 : i32 to index
      %swap3A_572 = arith.constant 64 : index
      %swap3A_573 = tpu.vector_load %arg7[%swap3A_571, %swap3A_572] {strides = array<i32>} : memref<256x128xf32, #tpu.memory_space<vmem>>, vector<1x16xf32>,
      %swap3A_574 = vector.shape_cast %swap3A_573 : vector<1x16xf32> to vector<16xf32>
      %swap3A_575 = vector.shape_cast %add3A_570 : vector<16xf32> to vector<1x16xf32>
      tpu.vector_store %arg7[%swap3A_571, %swap3A_572], %swap3A_575 {strides = array<i32>} : memref<256x128xf32, #tpu.memory_space<vmem>>, vector<1x16xf32>,
      %add3A_576 = arith.constant 160 : i32
      %add3A_577 = arith.addi %add3A_576, %scan3A_300 : i32
      %get3A_578 = arith.index_cast %add3A_577 : i32 to index
      %get3A_579 = arith.constant 64 : index
      %get3A_580 = tpu.vector_load %arg7[%get3A_578, %get3A_579] {strides = array<i32>} : memref<256x128xf32, #tpu.memory_space<vmem>>, vector<1x16xf32>,
      %get3A_581 = vector.shape_cast %get3A_580 : vector<1x16xf32> to vector<16xf32>
      %mul3A_582 = arith.constant 11.3137083 : f32
      %mul3A_583 = vector.broadcast %mul3A_582 : f32 to vector<16xf32>
      %mul3A_584 = arith.mulf %get3A_581, %mul3A_583 : vector<16xf32>
      %add3A_585 = arith.addf %mul3A_584, %get3A_560 : vector<16xf32>
      %swap3A_586 = arith.index_cast %add3A_577 : i32 to index
      %swap3A_587 = arith.constant 64 : index
      %swap3A_588 = tpu.vector_load %arg7[%swap3A_586, %swap3A_587] {strides = array<i32>} : memref<256x128xf32, #tpu.memory_space<vmem>>, vector<1x16xf32>,
      %swap3A_589 = vector.shape_cast %swap3A_588 : vector<1x16xf32> to vector<16xf32>
      %swap3A_590 = vector.shape_cast %add3A_585 : vector<16xf32> to vector<1x16xf32>
      tpu.vector_store %arg7[%swap3A_586, %swap3A_587], %swap3A_590 {strides = array<i32>} : memref<256x128xf32, #tpu.memory_space<vmem>>, vector<1x16xf32>,
      %add3A_591 = arith.constant 192 : i32
      %add3A_592 = arith.addi %add3A_591, %scan3A_300 : i32
      %get3A_593 = arith.index_cast %add3A_592 : i32 to index
      %get3A_594 = arith.constant 64 : index
      %get3A_595 = tpu.vector_load %arg7[%get3A_593, %get3A_594] {strides = array<i32>} : memref<256x128xf32, #tpu.memory_space<vmem>>, vector<1x16xf32>,
      %get3A_596 = vector.shape_cast %get3A_595 : vector<1x16xf32> to vector<16xf32>
      %mul3A_597 = arith.constant 11.3137083 : f32
      %mul3A_598 = vector.broadcast %mul3A_597 : f32 to vector<16xf32>
      %mul3A_599 = arith.mulf %get3A_596, %mul3A_598 : vector<16xf32>
      %add3A_600 = arith.addf %mul3A_599, %get3A_560 : vector<16xf32>
      %swap3A_601 = arith.index_cast %add3A_592 : i32 to index
      %swap3A_602 = arith.constant 64 : index
      %swap3A_603 = tpu.vector_load %arg7[%swap3A_601, %swap3A_602] {strides = array<i32>} : memref<256x128xf32, #tpu.memory_space<vmem>>, vector<1x16xf32>,
      %swap3A_604 = vector.shape_cast %swap3A_603 : vector<1x16xf32> to vector<16xf32>
      %swap3A_605 = vector.shape_cast %add3A_600 : vector<16xf32> to vector<1x16xf32>
      tpu.vector_store %arg7[%swap3A_601, %swap3A_602], %swap3A_605 {strides = array<i32>} : memref<256x128xf32, #tpu.memory_space<vmem>>, vector<1x16xf32>,
      %add3A_606 = arith.constant 224 : i32
      %add3A_607 = arith.addi %add3A_606, %scan3A_300 : i32
      %get3A_608 = arith.index_cast %add3A_607 : i32 to index
      %get3A_609 = arith.constant 64 : index
      %get3A_610 = tpu.vector_load %arg7[%get3A_608, %get3A_609] {strides = array<i32>} : memref<256x128xf32, #tpu.memory_space<vmem>>, vector<1x16xf32>,
      %get3A_611 = vector.shape_cast %get3A_610 : vector<1x16xf32> to vector<16xf32>
      %mul3A_612 = arith.constant 11.3137083 : f32
      %mul3A_613 = vector.broadcast %mul3A_612 : f32 to vector<16xf32>
      %mul3A_614 = arith.mulf %get3A_611, %mul3A_613 : vector<16xf32>
      %add3A_615 = arith.addf %mul3A_614, %get3A_560 : vector<16xf32>
      %swap3A_616 = arith.index_cast %add3A_607 : i32 to index
      %swap3A_617 = arith.constant 64 : index
      %swap3A_618 = tpu.vector_load %arg7[%swap3A_616, %swap3A_617] {strides = array<i32>} : memref<256x128xf32, #tpu.memory_space<vmem>>, vector<1x16xf32>,
      %swap3A_619 = vector.shape_cast %swap3A_618 : vector<1x16xf32> to vector<16xf32>
      %swap3A_620 = vector.shape_cast %add3A_615 : vector<16xf32> to vector<1x16xf32>
      tpu.vector_store %arg7[%swap3A_616, %swap3A_617], %swap3A_620 {strides = array<i32>} : memref<256x128xf32, #tpu.memory_space<vmem>>, vector<1x16xf32>,
      %get3A_621 = arith.index_cast %add3A_302 : i32 to index
      %get3A_622 = arith.constant 80 : index
      %get3A_623 = tpu.vector_load %arg8[%get3A_621, %get3A_622] {strides = array<i32>} : memref<64x128xf32, #tpu.memory_space<vmem>>, vector<1x16xf32>,
      %get3A_624 = vector.shape_cast %get3A_623 : vector<1x16xf32> to vector<16xf32>
      %add3A_625 = arith.constant 128 : i32
      %add3A_626 = arith.addi %add3A_625, %scan3A_300 : i32
      %get3A_627 = arith.index_cast %add3A_626 : i32 to index
      %get3A_628 = arith.constant 80 : index
      %get3A_629 = tpu.vector_load %arg7[%get3A_627, %get3A_628] {strides = array<i32>} : memref<256x128xf32, #tpu.memory_space<vmem>>, vector<1x16xf32>,
      %get3A_630 = vector.shape_cast %get3A_629 : vector<1x16xf32> to vector<16xf32>
      %mul3A_631 = arith.constant 11.3137083 : f32
      %mul3A_632 = vector.broadcast %mul3A_631 : f32 to vector<16xf32>
      %mul3A_633 = arith.mulf %get3A_630, %mul3A_632 : vector<16xf32>
      %add3A_634 = arith.addf %mul3A_633, %get3A_624 : vector<16xf32>
      %swap3A_635 = arith.index_cast %add3A_626 : i32 to index
      %swap3A_636 = arith.constant 80 : index
      %swap3A_637 = tpu.vector_load %arg7[%swap3A_635, %swap3A_636] {strides = array<i32>} : memref<256x128xf32, #tpu.memory_space<vmem>>, vector<1x16xf32>,
      %swap3A_638 = vector.shape_cast %swap3A_637 : vector<1x16xf32> to vector<16xf32>
      %swap3A_639 = vector.shape_cast %add3A_634 : vector<16xf32> to vector<1x16xf32>
      tpu.vector_store %arg7[%swap3A_635, %swap3A_636], %swap3A_639 {strides = array<i32>} : memref<256x128xf32, #tpu.memory_space<vmem>>, vector<1x16xf32>,
      %add3A_640 = arith.constant 160 : i32
      %add3A_641 = arith.addi %add3A_640, %scan3A_300 : i32
      %get3A_642 = arith.index_cast %add3A_641 : i32 to index
      %get3A_643 = arith.constant 80 : index
      %get3A_644 = tpu.vector_load %arg7[%get3A_642, %get3A_643] {strides = array<i32>} : memref<256x128xf32, #tpu.memory_space<vmem>>, vector<1x16xf32>,
      %get3A_645 = vector.shape_cast %get3A_644 : vector<1x16xf32> to vector<16xf32>
      %mul3A_646 = arith.constant 11.3137083 : f32
      %mul3A_647 = vector.broadcast %mul3A_646 : f32 to vector<16xf32>
      %mul3A_648 = arith.mulf %get3A_645, %mul3A_647 : vector<16xf32>
      %add3A_649 = arith.addf %mul3A_648, %get3A_624 : vector<16xf32>
      %swap3A_650 = arith.index_cast %add3A_641 : i32 to index
      %swap3A_651 = arith.constant 80 : index
      %swap3A_652 = tpu.vector_load %arg7[%swap3A_650, %swap3A_651] {strides = array<i32>} : memref<256x128xf32, #tpu.memory_space<vmem>>, vector<1x16xf32>,
      %swap3A_653 = vector.shape_cast %swap3A_652 : vector<1x16xf32> to vector<16xf32>
      %swap3A_654 = vector.shape_cast %add3A_649 : vector<16xf32> to vector<1x16xf32>
      tpu.vector_store %arg7[%swap3A_650, %swap3A_651], %swap3A_654 {strides = array<i32>} : memref<256x128xf32, #tpu.memory_space<vmem>>, vector<1x16xf32>,
      %add3A_655 = arith.constant 192 : i32
      %add3A_656 = arith.addi %add3A_655, %scan3A_300 : i32
      %get3A_657 = arith.index_cast %add3A_656 : i32 to index
      %get3A_658 = arith.constant 80 : index
      %get3A_659 = tpu.vector_load %arg7[%get3A_657, %get3A_658] {strides = array<i32>} : memref<256x128xf32, #tpu.memory_space<vmem>>, vector<1x16xf32>,
      %get3A_660 = vector.shape_cast %get3A_659 : vector<1x16xf32> to vector<16xf32>
      %mul3A_661 = arith.constant 11.3137083 : f32
      %mul3A_662 = vector.broadcast %mul3A_661 : f32 to vector<16xf32>
      %mul3A_663 = arith.mulf %get3A_660, %mul3A_662 : vector<16xf32>
      %add3A_664 = arith.addf %mul3A_663, %get3A_624 : vector<16xf32>
      %swap3A_665 = arith.index_cast %add3A_656 : i32 to index
      %swap3A_666 = arith.constant 80 : index
      %swap3A_667 = tpu.vector_load %arg7[%swap3A_665, %swap3A_666] {strides = array<i32>} : memref<256x128xf32, #tpu.memory_space<vmem>>, vector<1x16xf32>,
      %swap3A_668 = vector.shape_cast %swap3A_667 : vector<1x16xf32> to vector<16xf32>
      %swap3A_669 = vector.shape_cast %add3A_664 : vector<16xf32> to vector<1x16xf32>
      tpu.vector_store %arg7[%swap3A_665, %swap3A_666], %swap3A_669 {strides = array<i32>} : memref<256x128xf32, #tpu.memory_space<vmem>>, vector<1x16xf32>,
      %add3A_670 = arith.constant 224 : i32
      %add3A_671 = arith.addi %add3A_670, %scan3A_300 : i32
      %get3A_672 = arith.index_cast %add3A_671 : i32 to index
      %get3A_673 = arith.constant 80 : index
      %get3A_674 = tpu.vector_load %arg7[%get3A_672, %get3A_673] {strides = array<i32>} : memref<256x128xf32, #tpu.memory_space<vmem>>, vector<1x16xf32>,
      %get3A_675 = vector.shape_cast %get3A_674 : vector<1x16xf32> to vector<16xf32>
      %mul3A_676 = arith.constant 11.3137083 : f32
      %mul3A_677 = vector.broadcast %mul3A_676 : f32 to vector<16xf32>
      %mul3A_678 = arith.mulf %get3A_675, %mul3A_677 : vector<16xf32>
      %add3A_679 = arith.addf %mul3A_678, %get3A_624 : vector<16xf32>
      %swap3A_680 = arith.index_cast %add3A_671 : i32 to index
      %swap3A_681 = arith.constant 80 : index
      %swap3A_682 = tpu.vector_load %arg7[%swap3A_680, %swap3A_681] {strides = array<i32>} : memref<256x128xf32, #tpu.memory_space<vmem>>, vector<1x16xf32>,
      %swap3A_683 = vector.shape_cast %swap3A_682 : vector<1x16xf32> to vector<16xf32>
      %swap3A_684 = vector.shape_cast %add3A_679 : vector<16xf32> to vector<1x16xf32>
      tpu.vector_store %arg7[%swap3A_680, %swap3A_681], %swap3A_684 {strides = array<i32>} : memref<256x128xf32, #tpu.memory_space<vmem>>, vector<1x16xf32>,
      %get3A_685 = arith.index_cast %add3A_302 : i32 to index
      %get3A_686 = arith.constant 96 : index
      %get3A_687 = tpu.vector_load %arg8[%get3A_685, %get3A_686] {strides = array<i32>} : memref<64x128xf32, #tpu.memory_space<vmem>>, vector<1x16xf32>,
      %get3A_688 = vector.shape_cast %get3A_687 : vector<1x16xf32> to vector<16xf32>
      %add3A_689 = arith.constant 128 : i32
      %add3A_690 = arith.addi %add3A_689, %scan3A_300 : i32
      %get3A_691 = arith.index_cast %add3A_690 : i32 to index
      %get3A_692 = arith.constant 96 : index
      %get3A_693 = tpu.vector_load %arg7[%get3A_691, %get3A_692] {strides = array<i32>} : memref<256x128xf32, #tpu.memory_space<vmem>>, vector<1x16xf32>,
      %get3A_694 = vector.shape_cast %get3A_693 : vector<1x16xf32> to vector<16xf32>
      %mul3A_695 = arith.constant 11.3137083 : f32
      %mul3A_696 = vector.broadcast %mul3A_695 : f32 to vector<16xf32>
      %mul3A_697 = arith.mulf %get3A_694, %mul3A_696 : vector<16xf32>
      %add3A_698 = arith.addf %mul3A_697, %get3A_688 : vector<16xf32>
      %swap3A_699 = arith.index_cast %add3A_690 : i32 to index
      %swap3A_700 = arith.constant 96 : index
      %swap3A_701 = tpu.vector_load %arg7[%swap3A_699, %swap3A_700] {strides = array<i32>} : memref<256x128xf32, #tpu.memory_space<vmem>>, vector<1x16xf32>,
      %swap3A_702 = vector.shape_cast %swap3A_701 : vector<1x16xf32> to vector<16xf32>
      %swap3A_703 = vector.shape_cast %add3A_698 : vector<16xf32> to vector<1x16xf32>
      tpu.vector_store %arg7[%swap3A_699, %swap3A_700], %swap3A_703 {strides = array<i32>} : memref<256x128xf32, #tpu.memory_space<vmem>>, vector<1x16xf32>,
      %add3A_704 = arith.constant 160 : i32
      %add3A_705 = arith.addi %add3A_704, %scan3A_300 : i32
      %get3A_706 = arith.index_cast %add3A_705 : i32 to index
      %get3A_707 = arith.constant 96 : index
      %get3A_708 = tpu.vector_load %arg7[%get3A_706, %get3A_707] {strides = array<i32>} : memref<256x128xf32, #tpu.memory_space<vmem>>, vector<1x16xf32>,
      %get3A_709 = vector.shape_cast %get3A_708 : vector<1x16xf32> to vector<16xf32>
      %mul3A_710 = arith.constant 11.3137083 : f32
      %mul3A_711 = vector.broadcast %mul3A_710 : f32 to vector<16xf32>
      %mul3A_712 = arith.mulf %get3A_709, %mul3A_711 : vector<16xf32>
      %add3A_713 = arith.addf %mul3A_712, %get3A_688 : vector<16xf32>
      %swap3A_714 = arith.index_cast %add3A_705 : i32 to index
      %swap3A_715 = arith.constant 96 : index
      %swap3A_716 = tpu.vector_load %arg7[%swap3A_714, %swap3A_715] {strides = array<i32>} : memref<256x128xf32, #tpu.memory_space<vmem>>, vector<1x16xf32>,
      %swap3A_717 = vector.shape_cast %swap3A_716 : vector<1x16xf32> to vector<16xf32>
      %swap3A_718 = vector.shape_cast %add3A_713 : vector<16xf32> to vector<1x16xf32>
      tpu.vector_store %arg7[%swap3A_714, %swap3A_715], %swap3A_718 {strides = array<i32>} : memref<256x128xf32, #tpu.memory_space<vmem>>, vector<1x16xf32>,
      %add3A_719 = arith.constant 192 : i32
      %add3A_720 = arith.addi %add3A_719, %scan3A_300 : i32
      %get3A_721 = arith.index_cast %add3A_720 : i32 to index
      %get3A_722 = arith.constant 96 : index
      %get3A_723 = tpu.vector_load %arg7[%get3A_721, %get3A_722] {strides = array<i32>} : memref<256x128xf32, #tpu.memory_space<vmem>>, vector<1x16xf32>,
      %get3A_724 = vector.shape_cast %get3A_723 : vector<1x16xf32> to vector<16xf32>
      %mul3A_725 = arith.constant 11.3137083 : f32
      %mul3A_726 = vector.broadcast %mul3A_725 : f32 to vector<16xf32>
      %mul3A_727 = arith.mulf %get3A_724, %mul3A_726 : vector<16xf32>
      %add3A_728 = arith.addf %mul3A_727, %get3A_688 : vector<16xf32>
      %swap3A_729 = arith.index_cast %add3A_720 : i32 to index
      %swap3A_730 = arith.constant 96 : index
      %swap3A_731 = tpu.vector_load %arg7[%swap3A_729, %swap3A_730] {strides = array<i32>} : memref<256x128xf32, #tpu.memory_space<vmem>>, vector<1x16xf32>,
      %swap3A_732 = vector.shape_cast %swap3A_731 : vector<1x16xf32> to vector<16xf32>
      %swap3A_733 = vector.shape_cast %add3A_728 : vector<16xf32> to vector<1x16xf32>
      tpu.vector_store %arg7[%swap3A_729, %swap3A_730], %swap3A_733 {strides = array<i32>} : memref<256x128xf32, #tpu.memory_space<vmem>>, vector<1x16xf32>,
      %add3A_734 = arith.constant 224 : i32
      %add3A_735 = arith.addi %add3A_734, %scan3A_300 : i32
      %get3A_736 = arith.index_cast %add3A_735 : i32 to index
      %get3A_737 = arith.constant 96 : index
      %get3A_738 = tpu.vector_load %arg7[%get3A_736, %get3A_737] {strides = array<i32>} : memref<256x128xf32, #tpu.memory_space<vmem>>, vector<1x16xf32>,
      %get3A_739 = vector.shape_cast %get3A_738 : vector<1x16xf32> to vector<16xf32>
      %mul3A_740 = arith.constant 11.3137083 : f32
      %mul3A_741 = vector.broadcast %mul3A_740 : f32 to vector<16xf32>
      %mul3A_742 = arith.mulf %get3A_739, %mul3A_741 : vector<16xf32>
      %add3A_743 = arith.addf %mul3A_742, %get3A_688 : vector<16xf32>
      %swap3A_744 = arith.index_cast %add3A_735 : i32 to index
      %swap3A_745 = arith.constant 96 : index
      %swap3A_746 = tpu.vector_load %arg7[%swap3A_744, %swap3A_745] {strides = array<i32>} : memref<256x128xf32, #tpu.memory_space<vmem>>, vector<1x16xf32>,
      %swap3A_747 = vector.shape_cast %swap3A_746 : vector<1x16xf32> to vector<16xf32>
      %swap3A_748 = vector.shape_cast %add3A_743 : vector<16xf32> to vector<1x16xf32>
      tpu.vector_store %arg7[%swap3A_744, %swap3A_745], %swap3A_748 {strides = array<i32>} : memref<256x128xf32, #tpu.memory_space<vmem>>, vector<1x16xf32>,
      %get3A_749 = arith.index_cast %add3A_302 : i32 to index
      %get3A_750 = arith.constant 112 : index
      %get3A_751 = tpu.vector_load %arg8[%get3A_749, %get3A_750] {strides = array<i32>} : memref<64x128xf32, #tpu.memory_space<vmem>>, vector<1x16xf32>,
      %get3A_752 = vector.shape_cast %get3A_751 : vector<1x16xf32> to vector<16xf32>
      %add3A_753 = arith.constant 128 : i32
      %add3A_754 = arith.addi %add3A_753, %scan3A_300 : i32
      %get3A_755 = arith.index_cast %add3A_754 : i32 to index
      %get3A_756 = arith.constant 112 : index
      %get3A_757 = tpu.vector_load %arg7[%get3A_755, %get3A_756] {strides = array<i32>} : memref<256x128xf32, #tpu.memory_space<vmem>>, vector<1x16xf32>,
      %get3A_758 = vector.shape_cast %get3A_757 : vector<1x16xf32> to vector<16xf32>
      %mul3A_759 = arith.constant 11.3137083 : f32
      %mul3A_760 = vector.broadcast %mul3A_759 : f32 to vector<16xf32>
      %mul3A_761 = arith.mulf %get3A_758, %mul3A_760 : vector<16xf32>
      %add3A_762 = arith.addf %mul3A_761, %get3A_752 : vector<16xf32>
      %swap3A_763 = arith.index_cast %add3A_754 : i32 to index
      %swap3A_764 = arith.constant 112 : index
      %swap3A_765 = tpu.vector_load %arg7[%swap3A_763, %swap3A_764] {strides = array<i32>} : memref<256x128xf32, #tpu.memory_space<vmem>>, vector<1x16xf32>,
      %swap3A_766 = vector.shape_cast %swap3A_765 : vector<1x16xf32> to vector<16xf32>
      %swap3A_767 = vector.shape_cast %add3A_762 : vector<16xf32> to vector<1x16xf32>
      tpu.vector_store %arg7[%swap3A_763, %swap3A_764], %swap3A_767 {strides = array<i32>} : memref<256x128xf32, #tpu.memory_space<vmem>>, vector<1x16xf32>,
      %add3A_768 = arith.constant 160 : i32
      %add3A_769 = arith.addi %add3A_768, %scan3A_300 : i32
      %get3A_770 = arith.index_cast %add3A_769 : i32 to index
      %get3A_771 = arith.constant 112 : index
      %get3A_772 = tpu.vector_load %arg7[%get3A_770, %get3A_771] {strides = array<i32>} : memref<256x128xf32, #tpu.memory_space<vmem>>, vector<1x16xf32>,
      %get3A_773 = vector.shape_cast %get3A_772 : vector<1x16xf32> to vector<16xf32>
      %mul3A_774 = arith.constant 11.3137083 : f32
      %mul3A_775 = vector.broadcast %mul3A_774 : f32 to vector<16xf32>
      %mul3A_776 = arith.mulf %get3A_773, %mul3A_775 : vector<16xf32>
      %add3A_777 = arith.addf %mul3A_776, %get3A_752 : vector<16xf32>
      %swap3A_778 = arith.index_cast %add3A_769 : i32 to index
      %swap3A_779 = arith.constant 112 : index
      %swap3A_780 = tpu.vector_load %arg7[%swap3A_778, %swap3A_779] {strides = array<i32>} : memref<256x128xf32, #tpu.memory_space<vmem>>, vector<1x16xf32>,
      %swap3A_781 = vector.shape_cast %swap3A_780 : vector<1x16xf32> to vector<16xf32>
      %swap3A_782 = vector.shape_cast %add3A_777 : vector<16xf32> to vector<1x16xf32>
      tpu.vector_store %arg7[%swap3A_778, %swap3A_779], %swap3A_782 {strides = array<i32>} : memref<256x128xf32, #tpu.memory_space<vmem>>, vector<1x16xf32>,
      %add3A_783 = arith.constant 192 : i32
      %add3A_784 = arith.addi %add3A_783, %scan3A_300 : i32
      %get3A_785 = arith.index_cast %add3A_784 : i32 to index
      %get3A_786 = arith.constant 112 : index
      %get3A_787 = tpu.vector_load %arg7[%get3A_785, %get3A_786] {strides = array<i32>} : memref<256x128xf32, #tpu.memory_space<vmem>>, vector<1x16xf32>,
      %get3A_788 = vector.shape_cast %get3A_787 : vector<1x16xf32> to vector<16xf32>
      %mul3A_789 = arith.constant 11.3137083 : f32
      %mul3A_790 = vector.broadcast %mul3A_789 : f32 to vector<16xf32>
      %mul3A_791 = arith.mulf %get3A_788, %mul3A_790 : vector<16xf32>
      %add3A_792 = arith.addf %mul3A_791, %get3A_752 : vector<16xf32>
      %swap3A_793 = arith.index_cast %add3A_784 : i32 to index
      %swap3A_794 = arith.constant 112 : index
      %swap3A_795 = tpu.vector_load %arg7[%swap3A_793, %swap3A_794] {strides = array<i32>} : memref<256x128xf32, #tpu.memory_space<vmem>>, vector<1x16xf32>,
      %swap3A_796 = vector.shape_cast %swap3A_795 : vector<1x16xf32> to vector<16xf32>
      %swap3A_797 = vector.shape_cast %add3A_792 : vector<16xf32> to vector<1x16xf32>
      tpu.vector_store %arg7[%swap3A_793, %swap3A_794], %swap3A_797 {strides = array<i32>} : memref<256x128xf32, #tpu.memory_space<vmem>>, vector<1x16xf32>,
      %add3A_798 = arith.constant 224 : i32
      %add3A_799 = arith.addi %add3A_798, %scan3A_300 : i32
      %get3A_800 = arith.index_cast %add3A_799 : i32 to index
      %get3A_801 = arith.constant 112 : index
      %get3A_802 = tpu.vector_load %arg7[%get3A_800, %get3A_801] {strides = array<i32>} : memref<256x128xf32, #tpu.memory_space<vmem>>, vector<1x16xf32>,
      %get3A_803 = vector.shape_cast %get3A_802 : vector<1x16xf32> to vector<16xf32>
      %mul3A_804 = arith.constant 11.3137083 : f32
      %mul3A_805 = vector.broadcast %mul3A_804 : f32 to vector<16xf32>
      %mul3A_806 = arith.mulf %get3A_803, %mul3A_805 : vector<16xf32>
      %add3A_807 = arith.addf %mul3A_806, %get3A_752 : vector<16xf32>
      %swap3A_808 = arith.index_cast %add3A_799 : i32 to index
      %swap3A_809 = arith.constant 112 : index
      %swap3A_810 = tpu.vector_load %arg7[%swap3A_808, %swap3A_809] {strides = array<i32>} : memref<256x128xf32, #tpu.memory_space<vmem>>, vector<1x16xf32>,
      %swap3A_811 = vector.shape_cast %swap3A_810 : vector<1x16xf32> to vector<16xf32>
      %swap3A_812 = vector.shape_cast %add3A_807 : vector<16xf32> to vector<1x16xf32>
      tpu.vector_store %arg7[%swap3A_808, %swap3A_809], %swap3A_812 {strides = array<i32>} : memref<256x128xf32, #tpu.memory_space<vmem>>, vector<1x16xf32>,
    }
    %scan3A_135 = arith.constant 32 : i32
    %add3A_136 = arith.constant 32 : i32
    %add3A_137 = arith.addi %mul3A_2, %add3A_136 : i32
    %dma_start3A_138 = arith.constant 0 : i32
    %dma_start3A_139 = arith.constant 128 : i32
    %dma_start3A_140 = arith.constant 0 : i32
    %dma_start3A_141 = tpu.memref_slice %arg7[%dma_start3A_139, %dma_start3A_140] : memref<256x128xf32, #tpu.memory_space<vmem>> -> memref<32x128xf32, #tpu.memory_space<vmem>>
    %dma_start3A_142 = arith.constant 0 : i32
    %dma_start3A_143 = tpu.memref_slice %arg5[%dma_start3A_138, %add3A_137, %dma_start3A_142] : memref<4x2048x128xf32, #tpu.memory_space<hbm>> -> memref<1x32x128xf32, #tpu.memory_space<hbm>>
    %dma_start3A_144 = tpu.memref_squeeze %dma_start3A_143 : memref<1x32x128xf32, #tpu.memory_space<hbm>> -> memref<32x128xf32, #tpu.memory_space<hbm>>
    %dma_start3A_145 = arith.constant 0 : i32
    %dma_start3A_146 = tpu.memref_slice %arg5[%dma_start3A_138, %add3A_137, %dma_start3A_145] : memref<4x2048x128xf32, #tpu.memory_space<hbm>> -> memref<1x32x128xf32, #tpu.memory_space<hbm>>
    %dma_start3A_147 = tpu.memref_squeeze %dma_start3A_146 : memref<1x32x128xf32, #tpu.memory_space<hbm>> -> memref<32x128xf32, #tpu.memory_space<hbm>>
    %dma_start3A_148 = arith.constant 128 : i32
    %dma_start3A_149 = arith.constant 0 : i32
    %dma_start3A_150 = tpu.memref_slice %arg7[%dma_start3A_148, %dma_start3A_149] : memref<256x128xf32, #tpu.memory_space<vmem>> -> memref<32x128xf32, #tpu.memory_space<vmem>>
    tpu.enqueue_dma source(%dma_start3A_150 : memref<32x128xf32, #tpu.memory_space<vmem>>) target(%dma_start3A_147 : memref<32x128xf32, #tpu.memory_space<hbm>>) target_semaphore(%arg13 : memref<!tpu.dma_semaphore, #tpu.memory_space<semaphore_mem>>)
    %add3A_151 = arith.constant 32 : i32
    %add3A_152 = arith.addi %mul3A_2, %add3A_151 : i32
    %dma_start3A_153 = arith.constant 1 : i32
    %dma_start3A_154 = arith.constant 160 : i32
    %dma_start3A_155 = arith.constant 0 : i32
    %dma_start3A_156 = tpu.memref_slice %arg7[%dma_start3A_154, %dma_start3A_155] : memref<256x128xf32, #tpu.memory_space<vmem>> -> memref<32x128xf32, #tpu.memory_space<vmem>>
    %dma_start3A_157 = arith.constant 0 : i32
    %dma_start3A_158 = tpu.memref_slice %arg5[%dma_start3A_153, %add3A_152, %dma_start3A_157] : memref<4x2048x128xf32, #tpu.memory_space<hbm>> -> memref<1x32x128xf32, #tpu.memory_space<hbm>>
    %dma_start3A_159 = tpu.memref_squeeze %dma_start3A_158 : memref<1x32x128xf32, #tpu.memory_space<hbm>> -> memref<32x128xf32, #tpu.memory_space<hbm>>
    %dma_start3A_160 = arith.constant 0 : i32
    %dma_start3A_161 = tpu.memref_slice %arg5[%dma_start3A_153, %add3A_152, %dma_start3A_160] : memref<4x2048x128xf32, #tpu.memory_space<hbm>> -> memref<1x32x128xf32, #tpu.memory_space<hbm>>
    %dma_start3A_162 = tpu.memref_squeeze %dma_start3A_161 : memref<1x32x128xf32, #tpu.memory_space<hbm>> -> memref<32x128xf32, #tpu.memory_space<hbm>>
    %dma_start3A_163 = arith.constant 160 : i32
    %dma_start3A_164 = arith.constant 0 : i32
    %dma_start3A_165 = tpu.memref_slice %arg7[%dma_start3A_163, %dma_start3A_164] : memref<256x128xf32, #tpu.memory_space<vmem>> -> memref<32x128xf32, #tpu.memory_space<vmem>>
    tpu.enqueue_dma source(%dma_start3A_165 : memref<32x128xf32, #tpu.memory_space<vmem>>) target(%dma_start3A_162 : memref<32x128xf32, #tpu.memory_space<hbm>>) target_semaphore(%arg13 : memref<!tpu.dma_semaphore, #tpu.memory_space<semaphore_mem>>)
    %add3A_166 = arith.constant 32 : i32
    %add3A_167 = arith.addi %mul3A_2, %add3A_166 : i32
    %dma_start3A_168 = arith.constant 2 : i32
    %dma_start3A_169 = arith.constant 192 : i32
    %dma_start3A_170 = arith.constant 0 : i32
    %dma_start3A_171 = tpu.memref_slice %arg7[%dma_start3A_169, %dma_start3A_170] : memref<256x128xf32, #tpu.memory_space<vmem>> -> memref<32x128xf32, #tpu.memory_space<vmem>>
    %dma_start3A_172 = arith.constant 0 : i32
    %dma_start3A_173 = tpu.memref_slice %arg5[%dma_start3A_168, %add3A_167, %dma_start3A_172] : memref<4x2048x128xf32, #tpu.memory_space<hbm>> -> memref<1x32x128xf32, #tpu.memory_space<hbm>>
    %dma_start3A_174 = tpu.memref_squeeze %dma_start3A_173 : memref<1x32x128xf32, #tpu.memory_space<hbm>> -> memref<32x128xf32, #tpu.memory_space<hbm>>
    %dma_start3A_175 = arith.constant 0 : i32
    %dma_start3A_176 = tpu.memref_slice %arg5[%dma_start3A_168, %add3A_167, %dma_start3A_175] : memref<4x2048x128xf32, #tpu.memory_space<hbm>> -> memref<1x32x128xf32, #tpu.memory_space<hbm>>
    %dma_start3A_177 = tpu.memref_squeeze %dma_start3A_176 : memref<1x32x128xf32, #tpu.memory_space<hbm>> -> memref<32x128xf32, #tpu.memory_space<hbm>>
    %dma_start3A_178 = arith.constant 192 : i32
    %dma_start3A_179 = arith.constant 0 : i32
    %dma_start3A_180 = tpu.memref_slice %arg7[%dma_start3A_178, %dma_start3A_179] : memref<256x128xf32, #tpu.memory_space<vmem>> -> memref<32x128xf32, #tpu.memory_space<vmem>>
    tpu.enqueue_dma source(%dma_start3A_180 : memref<32x128xf32, #tpu.memory_space<vmem>>) target(%dma_start3A_177 : memref<32x128xf32, #tpu.memory_space<hbm>>) target_semaphore(%arg13 : memref<!tpu.dma_semaphore, #tpu.memory_space<semaphore_mem>>)
    %add3A_181 = arith.constant 32 : i32
    %add3A_182 = arith.addi %mul3A_2, %add3A_181 : i32
    %dma_start3A_183 = arith.constant 3 : i32
    %dma_start3A_184 = arith.constant 224 : i32
    %dma_start3A_185 = arith.constant 0 : i32
    %dma_start3A_186 = tpu.memref_slice %arg7[%dma_start3A_184, %dma_start3A_185] : memref<256x128xf32, #tpu.memory_space<vmem>> -> memref<32x128xf32, #tpu.memory_space<vmem>>
    %dma_start3A_187 = arith.constant 0 : i32
    %dma_start3A_188 = tpu.memref_slice %arg5[%dma_start3A_183, %add3A_182, %dma_start3A_187] : memref<4x2048x128xf32, #tpu.memory_space<hbm>> -> memref<1x32x128xf32, #tpu.memory_space<hbm>>
    %dma_start3A_189 = tpu.memref_squeeze %dma_start3A_188 : memref<1x32x128xf32, #tpu.memory_space<hbm>> -> memref<32x128xf32, #tpu.memory_space<hbm>>
    %dma_start3A_190 = arith.constant 0 : i32
    %dma_start3A_191 = tpu.memref_slice %arg5[%dma_start3A_183, %add3A_182, %dma_start3A_190] : memref<4x2048x128xf32, #tpu.memory_space<hbm>> -> memref<1x32x128xf32, #tpu.memory_space<hbm>>
    %dma_start3A_192 = tpu.memref_squeeze %dma_start3A_191 : memref<1x32x128xf32, #tpu.memory_space<hbm>> -> memref<32x128xf32, #tpu.memory_space<hbm>>
    %dma_start3A_193 = arith.constant 224 : i32
    %dma_start3A_194 = arith.constant 0 : i32
    %dma_start3A_195 = tpu.memref_slice %arg7[%dma_start3A_193, %dma_start3A_194] : memref<256x128xf32, #tpu.memory_space<vmem>> -> memref<32x128xf32, #tpu.memory_space<vmem>>
    tpu.enqueue_dma source(%dma_start3A_195 : memref<32x128xf32, #tpu.memory_space<vmem>>) target(%dma_start3A_192 : memref<32x128xf32, #tpu.memory_space<hbm>>) target_semaphore(%arg13 : memref<!tpu.dma_semaphore, #tpu.memory_space<semaphore_mem>>)
    %dma_wait3A_196 = arith.constant 0 : i32
    %dma_wait3A_197 = arith.constant 0 : i32
    %dma_wait3A_198 = arith.constant 0 : i32
    %dma_wait3A_199 = tpu.memref_slice %arg7[%dma_wait3A_197, %dma_wait3A_198] : memref<256x128xf32, #tpu.memory_space<vmem>> -> memref<32x128xf32, #tpu.memory_space<vmem>>
    %dma_wait3A_200 = arith.constant 0 : i32
    %dma_wait3A_201 = tpu.memref_slice %arg5[%dma_wait3A_196, %add3A_61, %dma_wait3A_200] : memref<4x2048x128xf32, #tpu.memory_space<hbm>> -> memref<1x32x128xf32, #tpu.memory_space<hbm>>
    %dma_wait3A_202 = tpu.memref_squeeze %dma_wait3A_201 : memref<1x32x128xf32, #tpu.memory_space<hbm>> -> memref<32x128xf32, #tpu.memory_space<hbm>>
    %dma_wait3A_203 = arith.constant 0 : i32
    %dma_wait3A_204 = tpu.memref_slice %arg5[%dma_wait3A_196, %add3A_61, %dma_wait3A_203] : memref<4x2048x128xf32, #tpu.memory_space<hbm>> -> memref<1x32x128xf32, #tpu.memory_space<hbm>>
    %dma_wait3A_205 = tpu.memref_squeeze %dma_wait3A_204 : memref<1x32x128xf32, #tpu.memory_space<hbm>> -> memref<32x128xf32, #tpu.memory_space<hbm>>
    %dma_wait3A_206 = arith.constant 0 : i32
    %dma_wait3A_207 = arith.constant 0 : i32
    %dma_wait3A_208 = tpu.memref_slice %arg7[%dma_wait3A_206, %dma_wait3A_207] : memref<256x128xf32, #tpu.memory_space<vmem>> -> memref<32x128xf32, #tpu.memory_space<vmem>>
    tpu.wait_dma2 semaphore(%arg13 : memref<!tpu.dma_semaphore, #tpu.memory_space<semaphore_mem>>) src(%dma_wait3A_208 : memref<32x128xf32, #tpu.memory_space<vmem>>) dst(%dma_wait3A_205 : memref<32x128xf32, #tpu.memory_space<hbm>>)
    %dma_wait3A_209 = arith.constant 1 : i32
    %dma_wait3A_210 = arith.constant 32 : i32
    %dma_wait3A_211 = arith.constant 0 : i32
    %dma_wait3A_212 = tpu.memref_slice %arg7[%dma_wait3A_210, %dma_wait3A_211] : memref<256x128xf32, #tpu.memory_space<vmem>> -> memref<32x128xf32, #tpu.memory_space<vmem>>
    %dma_wait3A_213 = arith.constant 0 : i32
    %dma_wait3A_214 = tpu.memref_slice %arg5[%dma_wait3A_209, %add3A_76, %dma_wait3A_213] : memref<4x2048x128xf32, #tpu.memory_space<hbm>> -> memref<1x32x128xf32, #tpu.memory_space<hbm>>
    %dma_wait3A_215 = tpu.memref_squeeze %dma_wait3A_214 : memref<1x32x128xf32, #tpu.memory_space<hbm>> -> memref<32x128xf32, #tpu.memory_space<hbm>>
    %dma_wait3A_216 = arith.constant 0 : i32
    %dma_wait3A_217 = tpu.memref_slice %arg5[%dma_wait3A_209, %add3A_76, %dma_wait3A_216] : memref<4x2048x128xf32, #tpu.memory_space<hbm>> -> memref<1x32x128xf32, #tpu.memory_space<hbm>>
    %dma_wait3A_218 = tpu.memref_squeeze %dma_wait3A_217 : memref<1x32x128xf32, #tpu.memory_space<hbm>> -> memref<32x128xf32, #tpu.memory_space<hbm>>
    %dma_wait3A_219 = arith.constant 32 : i32
    %dma_wait3A_220 = arith.constant 0 : i32
    %dma_wait3A_221 = tpu.memref_slice %arg7[%dma_wait3A_219, %dma_wait3A_220] : memref<256x128xf32, #tpu.memory_space<vmem>> -> memref<32x128xf32, #tpu.memory_space<vmem>>
    tpu.wait_dma2 semaphore(%arg13 : memref<!tpu.dma_semaphore, #tpu.memory_space<semaphore_mem>>) src(%dma_wait3A_221 : memref<32x128xf32, #tpu.memory_space<vmem>>) dst(%dma_wait3A_218 : memref<32x128xf32, #tpu.memory_space<hbm>>)
    %dma_wait3A_222 = arith.constant 2 : i32
    %dma_wait3A_223 = arith.constant 64 : i32
    %dma_wait3A_224 = arith.constant 0 : i32
    %dma_wait3A_225 = tpu.memref_slice %arg7[%dma_wait3A_223, %dma_wait3A_224] : memref<256x128xf32, #tpu.memory_space<vmem>> -> memref<32x128xf32, #tpu.memory_space<vmem>>
    %dma_wait3A_226 = arith.constant 0 : i32
    %dma_wait3A_227 = tpu.memref_slice %arg5[%dma_wait3A_222, %add3A_91, %dma_wait3A_226] : memref<4x2048x128xf32, #tpu.memory_space<hbm>> -> memref<1x32x128xf32, #tpu.memory_space<hbm>>
    %dma_wait3A_228 = tpu.memref_squeeze %dma_wait3A_227 : memref<1x32x128xf32, #tpu.memory_space<hbm>> -> memref<32x128xf32, #tpu.memory_space<hbm>>
    %dma_wait3A_229 = arith.constant 0 : i32
    %dma_wait3A_230 = tpu.memref_slice %arg5[%dma_wait3A_222, %add3A_91, %dma_wait3A_229] : memref<4x2048x128xf32, #tpu.memory_space<hbm>> -> memref<1x32x128xf32, #tpu.memory_space<hbm>>
    %dma_wait3A_231 = tpu.memref_squeeze %dma_wait3A_230 : memref<1x32x128xf32, #tpu.memory_space<hbm>> -> memref<32x128xf32, #tpu.memory_space<hbm>>
    %dma_wait3A_232 = arith.constant 64 : i32
    %dma_wait3A_233 = arith.constant 0 : i32
    %dma_wait3A_234 = tpu.memref_slice %arg7[%dma_wait3A_232, %dma_wait3A_233] : memref<256x128xf32, #tpu.memory_space<vmem>> -> memref<32x128xf32, #tpu.memory_space<vmem>>
    tpu.wait_dma2 semaphore(%arg13 : memref<!tpu.dma_semaphore, #tpu.memory_space<semaphore_mem>>) src(%dma_wait3A_234 : memref<32x128xf32, #tpu.memory_space<vmem>>) dst(%dma_wait3A_231 : memref<32x128xf32, #tpu.memory_space<hbm>>)
    %dma_wait3A_235 = arith.constant 3 : i32
    %dma_wait3A_236 = arith.constant 96 : i32
    %dma_wait3A_237 = arith.constant 0 : i32
    %dma_wait3A_238 = tpu.memref_slice %arg7[%dma_wait3A_236, %dma_wait3A_237] : memref<256x128xf32, #tpu.memory_space<vmem>> -> memref<32x128xf32, #tpu.memory_space<vmem>>
    %dma_wait3A_239 = arith.constant 0 : i32
    %dma_wait3A_240 = tpu.memref_slice %arg5[%dma_wait3A_235, %add3A_106, %dma_wait3A_239] : memref<4x2048x128xf32, #tpu.memory_space<hbm>> -> memref<1x32x128xf32, #tpu.memory_space<hbm>>
    %dma_wait3A_241 = tpu.memref_squeeze %dma_wait3A_240 : memref<1x32x128xf32, #tpu.memory_space<hbm>> -> memref<32x128xf32, #tpu.memory_space<hbm>>
    %dma_wait3A_242 = arith.constant 0 : i32
    %dma_wait3A_243 = tpu.memref_slice %arg5[%dma_wait3A_235, %add3A_106, %dma_wait3A_242] : memref<4x2048x128xf32, #tpu.memory_space<hbm>> -> memref<1x32x128xf32, #tpu.memory_space<hbm>>
    %dma_wait3A_244 = tpu.memref_squeeze %dma_wait3A_243 : memref<1x32x128xf32, #tpu.memory_space<hbm>> -> memref<32x128xf32, #tpu.memory_space<hbm>>
    %dma_wait3A_245 = arith.constant 96 : i32
    %dma_wait3A_246 = arith.constant 0 : i32
    %dma_wait3A_247 = tpu.memref_slice %arg7[%dma_wait3A_245, %dma_wait3A_246] : memref<256x128xf32, #tpu.memory_space<vmem>> -> memref<32x128xf32, #tpu.memory_space<vmem>>
    tpu.wait_dma2 semaphore(%arg13 : memref<!tpu.dma_semaphore, #tpu.memory_space<semaphore_mem>>) src(%dma_wait3A_247 : memref<32x128xf32, #tpu.memory_space<vmem>>) dst(%dma_wait3A_244 : memref<32x128xf32, #tpu.memory_space<hbm>>)
    %dma_wait3A_248 = arith.constant 0 : i32
    %dma_wait3A_249 = arith.constant 128 : i32
    %dma_wait3A_250 = arith.constant 0 : i32
    %dma_wait3A_251 = tpu.memref_slice %arg7[%dma_wait3A_249, %dma_wait3A_250] : memref<256x128xf32, #tpu.memory_space<vmem>> -> memref<32x128xf32, #tpu.memory_space<vmem>>
    %dma_wait3A_252 = arith.constant 0 : i32
    %dma_wait3A_253 = tpu.memref_slice %arg5[%dma_wait3A_248, %add3A_137, %dma_wait3A_252] : memref<4x2048x128xf32, #tpu.memory_space<hbm>> -> memref<1x32x128xf32, #tpu.memory_space<hbm>>
    %dma_wait3A_254 = tpu.memref_squeeze %dma_wait3A_253 : memref<1x32x128xf32, #tpu.memory_space<hbm>> -> memref<32x128xf32, #tpu.memory_space<hbm>>
    %dma_wait3A_255 = arith.constant 0 : i32
    %dma_wait3A_256 = tpu.memref_slice %arg5[%dma_wait3A_248, %add3A_137, %dma_wait3A_255] : memref<4x2048x128xf32, #tpu.memory_space<hbm>> -> memref<1x32x128xf32, #tpu.memory_space<hbm>>
    %dma_wait3A_257 = tpu.memref_squeeze %dma_wait3A_256 : memref<1x32x128xf32, #tpu.memory_space<hbm>> -> memref<32x128xf32, #tpu.memory_space<hbm>>
    %dma_wait3A_258 = arith.constant 128 : i32
    %dma_wait3A_259 = arith.constant 0 : i32
    %dma_wait3A_260 = tpu.memref_slice %arg7[%dma_wait3A_258, %dma_wait3A_259] : memref<256x128xf32, #tpu.memory_space<vmem>> -> memref<32x128xf32, #tpu.memory_space<vmem>>
    tpu.wait_dma2 semaphore(%arg13 : memref<!tpu.dma_semaphore, #tpu.memory_space<semaphore_mem>>) src(%dma_wait3A_260 : memref<32x128xf32, #tpu.memory_space<vmem>>) dst(%dma_wait3A_257 : memref<32x128xf32, #tpu.memory_space<hbm>>)
    %dma_wait3A_261 = arith.constant 1 : i32
    %dma_wait3A_262 = arith.constant 160 : i32
    %dma_wait3A_263 = arith.constant 0 : i32
    %dma_wait3A_264 = tpu.memref_slice %arg7[%dma_wait3A_262, %dma_wait3A_263] : memref<256x128xf32, #tpu.memory_space<vmem>> -> memref<32x128xf32, #tpu.memory_space<vmem>>
    %dma_wait3A_265 = arith.constant 0 : i32
    %dma_wait3A_266 = tpu.memref_slice %arg5[%dma_wait3A_261, %add3A_152, %dma_wait3A_265] : memref<4x2048x128xf32, #tpu.memory_space<hbm>> -> memref<1x32x128xf32, #tpu.memory_space<hbm>>
    %dma_wait3A_267 = tpu.memref_squeeze %dma_wait3A_266 : memref<1x32x128xf32, #tpu.memory_space<hbm>> -> memref<32x128xf32, #tpu.memory_space<hbm>>
    %dma_wait3A_268 = arith.constant 0 : i32
    %dma_wait3A_269 = tpu.memref_slice %arg5[%dma_wait3A_261, %add3A_152, %dma_wait3A_268] : memref<4x2048x128xf32, #tpu.memory_space<hbm>> -> memref<1x32x128xf32, #tpu.memory_space<hbm>>
    %dma_wait3A_270 = tpu.memref_squeeze %dma_wait3A_269 : memref<1x32x128xf32, #tpu.memory_space<hbm>> -> memref<32x128xf32, #tpu.memory_space<hbm>>
    %dma_wait3A_271 = arith.constant 160 : i32
    %dma_wait3A_272 = arith.constant 0 : i32
    %dma_wait3A_273 = tpu.memref_slice %arg7[%dma_wait3A_271, %dma_wait3A_272] : memref<256x128xf32, #tpu.memory_space<vmem>> -> memref<32x128xf32, #tpu.memory_space<vmem>>
    tpu.wait_dma2 semaphore(%arg13 : memref<!tpu.dma_semaphore, #tpu.memory_space<semaphore_mem>>) src(%dma_wait3A_273 : memref<32x128xf32, #tpu.memory_space<vmem>>) dst(%dma_wait3A_270 : memref<32x128xf32, #tpu.memory_space<hbm>>)
    %dma_wait3A_274 = arith.constant 2 : i32
    %dma_wait3A_275 = arith.constant 192 : i32
    %dma_wait3A_276 = arith.constant 0 : i32
    %dma_wait3A_277 = tpu.memref_slice %arg7[%dma_wait3A_275, %dma_wait3A_276] : memref<256x128xf32, #tpu.memory_space<vmem>> -> memref<32x128xf32, #tpu.memory_space<vmem>>
    %dma_wait3A_278 = arith.constant 0 : i32
    %dma_wait3A_279 = tpu.memref_slice %arg5[%dma_wait3A_274, %add3A_167, %dma_wait3A_278] : memref<4x2048x128xf32, #tpu.memory_space<hbm>> -> memref<1x32x128xf32, #tpu.memory_space<hbm>>
    %dma_wait3A_280 = tpu.memref_squeeze %dma_wait3A_279 : memref<1x32x128xf32, #tpu.memory_space<hbm>> -> memref<32x128xf32, #tpu.memory_space<hbm>>
    %dma_wait3A_281 = arith.constant 0 : i32
    %dma_wait3A_282 = tpu.memref_slice %arg5[%dma_wait3A_274, %add3A_167, %dma_wait3A_281] : memref<4x2048x128xf32, #tpu.memory_space<hbm>> -> memref<1x32x128xf32, #tpu.memory_space<hbm>>
    %dma_wait3A_283 = tpu.memref_squeeze %dma_wait3A_282 : memref<1x32x128xf32, #tpu.memory_space<hbm>> -> memref<32x128xf32, #tpu.memory_space<hbm>>
    %dma_wait3A_284 = arith.constant 192 : i32
    %dma_wait3A_285 = arith.constant 0 : i32
    %dma_wait3A_286 = tpu.memref_slice %arg7[%dma_wait3A_284, %dma_wait3A_285] : memref<256x128xf32, #tpu.memory_space<vmem>> -> memref<32x128xf32, #tpu.memory_space<vmem>>
    tpu.wait_dma2 semaphore(%arg13 : memref<!tpu.dma_semaphore, #tpu.memory_space<semaphore_mem>>) src(%dma_wait3A_286 : memref<32x128xf32, #tpu.memory_space<vmem>>) dst(%dma_wait3A_283 : memref<32x128xf32, #tpu.memory_space<hbm>>)
    %dma_wait3A_287 = arith.constant 3 : i32
    %dma_wait3A_288 = arith.constant 224 : i32
    %dma_wait3A_289 = arith.constant 0 : i32
    %dma_wait3A_290 = tpu.memref_slice %arg7[%dma_wait3A_288, %dma_wait3A_289] : memref<256x128xf32, #tpu.memory_space<vmem>> -> memref<32x128xf32, #tpu.memory_space<vmem>>
    %dma_wait3A_291 = arith.constant 0 : i32
    %dma_wait3A_292 = tpu.memref_slice %arg5[%dma_wait3A_287, %add3A_182, %dma_wait3A_291] : memref<4x2048x128xf32, #tpu.memory_space<hbm>> -> memref<1x32x128xf32, #tpu.memory_space<hbm>>
    %dma_wait3A_293 = tpu.memref_squeeze %dma_wait3A_292 : memref<1x32x128xf32, #tpu.memory_space<hbm>> -> memref<32x128xf32, #tpu.memory_space<hbm>>
    %dma_wait3A_294 = arith.constant 0 : i32
    %dma_wait3A_295 = tpu.memref_slice %arg5[%dma_wait3A_287, %add3A_182, %dma_wait3A_294] : memref<4x2048x128xf32, #tpu.memory_space<hbm>> -> memref<1x32x128xf32, #tpu.memory_space<hbm>>
    %dma_wait3A_296 = tpu.memref_squeeze %dma_wait3A_295 : memref<1x32x128xf32, #tpu.memory_space<hbm>> -> memref<32x128xf32, #tpu.memory_space<hbm>>
    %dma_wait3A_297 = arith.constant 224 : i32
    %dma_wait3A_298 = arith.constant 0 : i32
    %dma_wait3A_299 = tpu.memref_slice %arg7[%dma_wait3A_297, %dma_wait3A_298] : memref<256x128xf32, #tpu.memory_space<vmem>> -> memref<32x128xf32, #tpu.memory_space<vmem>>
    tpu.wait_dma2 semaphore(%arg13 : memref<!tpu.dma_semaphore, #tpu.memory_space<semaphore_mem>>) src(%dma_wait3A_299 : memref<32x128xf32, #tpu.memory_space<vmem>>) dst(%dma_wait3A_296 : memref<32x128xf32, #tpu.memory_space<hbm>>)
    return
  }
}

</mosaic_0001>

<sc_bundles>
// kernel: kernel.3.cloned.1.call-start
scs
__scs_entry_jumppad:
0x0: {  	(pc) =	sbr.rel $0x88, $3  }
0x1: {  	(tag) =	ssettag $0x0;
	lr =	simm.s32 $0x1  }
0x2: {  	[smem:$0x3F9E] =	sst lr;
	_ =	strace $0xD0000000  }
0x3: {  	_ = 	snop  }
0x4: {  	_ = 	snop  }
0x5: {  	_ = 	snop  }
0x6: {  	_ = 	snop  }
0x7: {  	_ = 	snop  }
__scs_overlays_trampoline_lowered:
0x8: {  	[smem:$0x3FAD] =	sst s0  }
0x9: {  	[smem:$0x3FAE] =	sst s1  }
0xa: {  	[smem:$0x3FAF] =	sst s2  }
0xb: {  	[smem:$0x3FB0] =	sst s3  }
0xc: {  	[smem:$0x3FB1] =	sst s4  }
0xd: {  	[smem:$0x3FB2] =	sst s5  }
0xe: {  	[smem:$0x3FB3] =	sst s6  }
0xf: {  	[smem:$0x3FB4] =	sst s7  }
0x10: {  	[smem:$0x3FB5] =	sst s8  }
0x11: {  	[smem:$0x3FB6] =	sst s9;
	s0 =	simm.s32 @!p0 $0x0  }
0x12: {  	s1 =	sld [smem:$0x3F9C];
	s0 =	simm.s32 @p0 $0x1  }
0x13: {  	[smem:$0x3FB7] =	sst s0;
	s0 =	simm.s32 @!p1 $0x0  }
0x14: {  	s2 =	sld [smem:$0x3F9B];
	s0 =	simm.s32 @p1 $0x1  }
0x15: {  	[smem:$0x3FB8] =	sst s0;
	s0 =	simm.s32 @!p2 $0x0  }
0x16: {  	s3 =	sld [smem:$0x3FDB];
	s0 =	simm.s32 @p2 $0x1  }
0x17: {  	s4 =	simm.s32 $0x1BF5;
	[smem:$0x3FBA] =	sst s0  }
0x18: {  	s0 =	sld [smem:$0x3F9D];
	_ =	swait.ge [sflag:s4], $0x0  }
0x19: {  	s7 =	sld [smem:$0x3F9E]  }
0x1a: {  	s8 =	sadd.s32 $0xFFFFE003, lr  }
0x1b: {  	s9 =	sadd.s32 $0xFFFFFEF7, lr;
	s5 =	simm.s32 $0xFFFFFFFF;
	p2 =	slt.u32 s8, $0xFFFFF086  }
0x1c: {  	p1 =	slt.u32 s9, $0xF7A;
	s5 =	simm.s32 @!p2 $0x0  }
0x1d: {  	s5 =	simm.s32 @p1 $0x1;
	p0 =	seq.s32 s7, s2  }
0x1e: {  	s7 =	smul.u32 @!p0 $0xF7A, s2;
	p2 =	seq.s32 @!p0 s5, $0x0  }
0x1f: {  	s9 =	smul.u32 $0xF7A, s1;
	s8 =	simm.s32 @!p0 $0x1BF5;
	p2 =	por !p2, p0  }
0x20: {  	[sflag:s8] =	ssyncset.s32 @!p0 $0xFFFFF086;
	s6 =	sadd.s32 @!p0 s3, s7;
	s7 =	simm.s32 @!p0 $0x108  }
0x21: {  	s3 =	sadd.s32 s3, s9;
	s6 =	sadd.s32 @!p0 $0x88, s6;
	s7 =	simm.s32 @p2 $0x1082  }
0x22: {  	[simem:s7], [sflag:s8] =	dma.local @!p0 [hbm:s6], $0xF7A  }
0x23: {  	s9 =	sor.u32 $0xD0000000, s2;
	s6 =	simm.s32 $0x108;
	_ =	swait.ge @!p0 [sflag:s8], $0x0  }
0x24: {  	s3 =	sadd.s32 $0x88, s3;
	s6 =	simm.s32 @!p1 $0x1082;
	[sflag:s4] =	ssyncset.s32 $0xFFFFF086  }
0x25: {  	[simem:s6], [sflag:s4] =	dma.local [hbm:s3], $0xF7A  }
0x26: {  	[smem:$0x3F9E] =	sst s1;
	(tag) =	ssettag s2;
	_ =	strace s9  }
0x27: {  	s1 =	sld [smem:$0x3FAE]  }
0x28: {  	s2 =	sld [smem:$0x3FAF]  }
0x29: {  	s4 =	sld [smem:$0x3FB1]  }
0x2a: {  	p0 =	seq.s32 s5, $0x0;
	s5 =	sld [smem:$0x3FB2]  }
0x2b: {  	s6 =	sld [smem:$0x3FB3]  }
0x2c: {  	s7 =	sld [smem:$0x3FB4]  }
0x2d: {  	s3 =	simm.s32 $0x108;
	s8 =	sld [smem:$0x3FB5]  }
0x2e: {  	s3 =	simm.s32 @!p0 $0x1082;
	s9 =	sld [smem:$0x3FB6]  }
0x2f: {  	lr =	sadd.s32 s0, s3;
	s0 =	sld [smem:$0x3FAD]  }
0x30: {  	s3 =	sld [smem:$0x3FB0]  }
0x31: {  	[smem:$0x3FB9] =	sst s10  }
0x32: {  	s10 =	sld [smem:$0x3FB7];
	_ =	sdelay $0x3  }
0x33: {  	p0 =	seq.s32 s10, $0x1;
	s10 =	sld [smem:$0x3FB9];
	_ =	sdelay $0x3  }
0x34: {  	[smem:$0x3FB9] =	sst s10  }
0x35: {  	s10 =	sld [smem:$0x3FB8];
	_ =	sdelay $0x3  }
0x36: {  	p1 =	seq.s32 s10, $0x1;
	s10 =	sld [smem:$0x3FB9];
	_ =	sdelay $0x3  }
0x37: {  	[smem:$0x3FB9] =	sst s10  }
0x38: {  	s10 =	sld [smem:$0x3FBA]  }
0x39: {  	_ = 	snop;
	(pc) =	sbr.ind lr, $3  }
0x3a: {  	_ = 	snop  }
0x3b: {  	_ = 	snop  }
0x3c: {  	p2 =	seq.s32 s10, $0x1;
	s10 =	sld [smem:$0x3FB9]  }
0x3d: {  	_ =	shalt  }
0x3e: {  	_ =	shalt  }
0x3f: {  	_ =	shalt  }
0x40: {  	_ =	shalt  }
0x41: {  	_ =	shalt  }
0x42: {  	_ =	shalt  }
0x43: {  	_ =	shalt  }
0x44: {  	_ =	shalt  }
0x45: {  	_ =	shalt  }
0x46: {  	_ =	shalt  }
0x47: {  	_ =	shalt  }
0x48: {  	_ =	shalt  }
0x49: {  	_ =	shalt  }
0x4a: {  	_ =	shalt  }
0x4b: {  	_ =	shalt  }
0x4c: {  	_ =	shalt  }
0x4d: {  	_ =	shalt  }
0x4e: {  	_ =	shalt  }
0x4f: {  	_ =	shalt  }
0x50: {  	_ =	shalt  }
0x51: {  	_ =	shalt  }
0x52: {  	_ =	shalt  }
0x53: {  	_ =	shalt  }
0x54: {  	_ =	shalt  }
0x55: {  	_ =	shalt  }
0x56: {  	_ =	shalt  }
0x57: {  	_ =	shalt  }
0x58: {  	_ =	shalt  }
0x59: {  	_ =	shalt  }
0x5a: {  	_ =	shalt  }
0x5b: {  	_ =	shalt  }
0x5c: {  	_ =	shalt  }
0x5d: {  	_ =	shalt  }
0x5e: {  	_ =	shalt  }
0x5f: {  	_ =	shalt  }
0x60: {  	_ =	shalt  }
0x61: {  	_ =	shalt  }
0x62: {  	_ =	shalt  }
0x63: {  	_ =	shalt  }
0x64: {  	_ =	shalt  }
0x65: {  	_ =	shalt  }
0x66: {  	_ =	shalt  }
0x67: {  	_ =	shalt  }
0x68: {  	_ =	shalt  }
0x69: {  	_ =	shalt  }
0x6a: {  	_ =	shalt  }
0x6b: {  	_ =	shalt  }
0x6c: {  	_ =	shalt  }
0x6d: {  	_ =	shalt  }
0x6e: {  	_ =	shalt  }
0x6f: {  	_ =	shalt  }
0x70: {  	_ =	shalt  }
0x71: {  	_ =	shalt  }
0x72: {  	_ =	shalt  }
0x73: {  	_ =	shalt  }
0x74: {  	_ =	shalt  }
0x75: {  	_ =	shalt  }
0x76: {  	_ =	shalt  }
0x77: {  	_ =	shalt  }
0x78: {  	_ =	shalt  }
0x79: {  	_ =	shalt  }
0x7a: {  	_ =	shalt  }
0x7b: {  	_ =	shalt  }
0x7c: {  	_ =	shalt  }
0x7d: {  	_ =	shalt  }
0x7e: {  	_ =	shalt  }
0x7f: {  	_ =	shalt  }
0x80: {  	_ =	shalt  }
0x81: {  	_ =	shalt  }
0x82: {  	_ =	shalt  }
0x83: {  	_ =	shalt  }
0x84: {  	_ =	shalt  }
0x85: {  	_ =	shalt  }
0x86: {  	_ =	shalt  }
0x87: {  	_ =	shalt  }
.Lfunc_end0:
.L_simem_size_0:
called_computation_lowered:
.L_overlay_start_0:
0x88: {  	s2 =	sld [smem:$0x3FD9]  }
0x89: {  	s3 =	sld [smem:$0x3FFE];
	_ =	sdelay $0x1  }
0x8a: {  	s1 =	srdreg.scid  }
0x8b: {  	s0 =	sand.u32 $0x1, s1  }
0x8c: {  	s17 =	sshll.u32 s0, $0xA;
	s2 =	sadd.s32 s3, s2  }
0x8d: {  	s2 =	sadd.s32 s2, s17  }
0x8e: {  	[smem:$0x3FC5] =	sst s2  }
0x8f: {  	_ = 	snop  }
0x90: {  	s2 =	sld [smem:$0x3FC8]  }
0x91: {  	s18 =	sld [smem:$0x3FC7]  }
0x92: {  	s4 =	sld [smem:$0x3FD0];
	(tm) =	ssettm $0x1  }
0x93: {  	s5 =	sld [smem:$0x3FFB];
	_ =	sdelay $0x3  }
0x94: {  	_ =	strace s5  }
0x95: {  	s5 =	sld [smem:$0x3FFC];
	_ =	sdelay $0x3  }
0x96: {  	_ =	strace s5  }
0x97: {  	s5 =	sld [smem:$0x3FFD];
	_ =	sdelay $0x3  }
0x98: {  	_ =	strace s5  }
0x99: {  	_ =	strace $0x8FFFFFFF  }
0x9a: {  	s19 =	sld [smem:$0x3FDB];
	_ =	sdelay $0x1  }
0x9b: {  	s6 =	simm.s32 $_scs_section_size  }
0x9c: {  	s7 =	simm.s32 $_size__tile_overlayer_lowered;
	s8 =	simm.s32 $_tile_overlayer_lowered  }
0x9d: {  	s22 =	simm.s32 $0x1BFF;
	s21 =	sshll.u32 s8, $0x1;
	s5 =	sadd.s32 s6, s19  }
0x9e: {  	s9 =	simm.s32 $0x0;
	s20 =	sshll.u32 s7, $0x1;
	s7 =	sadd.s32 s21, s5  }
0x9f: {  	[timem:s9], [sflag:s22] =	dma.local [hbm:s7], s20  }
0xa0: {  	_ =	swait.ge [sflag:s22], s20  }
0xa1: {  	s6 =	ssub.s32 $0x0, s20;
	[sflag:s22] =	ssyncset.done $0x0  }
0xa2: {  	[sflag:s22] =	ssyncadd.s32 s6;
	_ =	sdelay $0x1  }
0xa3: {  	s23 =	simm.s32 $0x1B8B  }
0xa4: {  	_ =	swait.ge [sflag:s23], $0x1  }
0xa5: {  	[sflag:s23] =	ssyncset.done $0x0  }
0xa6: {  	s25 =	simm.s32 $0x1B8E;
	s24 =	sld [smem:$0x3FFE];
	[sflag:s23] =	ssyncadd.s32 $0xFFFFFFFF  }
0xa7: {  	s26 =	simm.s32 $execute0_lowered;
	[smem:$0x3FD2] =	sst s25  }
0xa8: {  	s7 =	sshll.u32 s26, $0x1;
	_ =	strace $0x80000046;
	[dreg:$0x1] =	wrdreg $0xFFFFFFFF  }
0xa9: {  	s28 =	simm.s32 $_size_execute0_lowered;
	s5 =	sadd.s32 s5, s7;
	[dreg:$0x0] =	wrdreg $0x0  }
0xaa: {  	s7 =	sshll.u32 s28, $0x1;
	[dreg:$0x2] =	wrdreg s5  }
0xab: {  	[dreg:$0x3] =	wrdreg s7  }
0xac: {  	[dreg:$0x4] =	wrdreg $0xC0  }
0xad: {  	_ =	task [dreg:s9], $0x5FFFF  }
0xae: {  	[dreg:$0x1] =	wrdreg $0xFFFFFFFF  }
0xaf: {  	[dreg:$0x0] =	wrdreg $0x60  }
0xb0: {  	[dreg:$0x2] =	wrdreg s24  }
0xb1: {  	[dreg:$0x3] =	wrdreg s2  }
0xb2: {  	[dreg:$0x4] =	wrdreg s18  }
0xb3: {  	[dreg:$0x5] =	wrdreg s4  }
0xb4: {  	[dreg:$0x6] =	wrdreg $0x9  }
0xb5: {  	_ =	task.clear_ibuf [dreg:s9], $0x7FFFF;
	_ =	strace $0x90000046  }
0xb6: {  	s29 =	simm.s32 $0x9;
	_ =	strace $0x80000048  }
0xb7: {  	_ =	swait.ge [sflag:s29], $0x1  }
0xb8: {  	[sflag:s29] =	ssyncadd.s32 $0xFFFFFFFF  }
0xb9: {  	_ =	strace $0x90000048  }
0xba: {  	_ =	sfence  }
0xbb: {  	s30 =	sld [smem:$0x0];
	_ =	sdelay $0x2  }
0xbc: {  	s31 =	sshll.u32 s1, $0xD;
	s1 =	sshrl.u32 s1, $0x2  }
0xbd: {  	s3 =	sand.u32 $0x4000, s31;
	s1 =	sadd.s32 s1, s30  }
0xbe: {  	s0 =	sor.u32 s3, s0;
	s1 =	sshll.u32 s1, $0x11  }
0xbf: {  	s0 =	sor.u32 s1, s0  }
0xc0: {  	s0 =	sadd.s32 $0x8F2B, s0  }
0xc1: {  	[sflag:s0] =	ssyncadd.remote.s32 $0x1  }
0xc2: {  	_ =	sfence.sel $0xFFFF  }
0xc3: {  	[dreg:$0x0] =	wrdreg $0xFFFFFFFF;
	(pc) =	sbr.abs _section_cstart, $3  }
0xc4: {  	[dreg:$0x1] =	wrdreg $0xFFFFFFFF  }
0xc5: {  	_ =	task.clear_ibuf [dreg:s9], $0x2FFFF;
	_ =	strace $0x9FFFFFFF  }
0xc6: {  	(tm) =	ssettm $0x7FFFFFFF  }
0xc7: {  	_ =	shalt  }
tec
execute0_lowered:
.L_overlay_start_1:
0x0: {  	(tag) =	ssettag $0x1  }
0x1: {  	s0 =	rddreg [dreg:$0x0]  }
0x2: {  	s1 =	rddreg [dreg:$0x1]  }
0x3: {  	s2 =	rddreg [dreg:$0x2]  }
0x4: {  	s6 =	rddreg [dreg:$0x3];
	s4 =	srdreg.scid  }
0x5: {  	s5 =	stileid.u32;
	s3 =	simm.s32 $0x0;
	s16 =	simm.s32 $0x1  }
0x6: {  	s17 =	simm.s32 $0x80;
	s18 =	simm.s32 $0x100;
	s19 =	simm.s32 $0x4100  }
0x7: {  	s20 =	simm.s32 $0x3;
	s21 =	simm.s32 $0x2;
	s22 =	simm.s32 $0x1100  }
0x8: {  	s23 =	simm.s32 $0x2100;
	s24 =	simm.s32 $0x3100;
	s25 =	simm.s32 $0x4  }
0x9: {  	s28 =	simm.s32 $0x6100;
	s29 =	simm.s32 $0x7100;
	s30 =	simm.s32 $0x5  }
0xa: {  	s31 =	simm.s32 $0x0;
	s4 =	sand.u32 $0x1, s4;
	s5 =	sshll.u32 s5, $0x1  }
0xb: {  	[smem:$0x7FF] =	sst s3;
	s5 =	sor.u32 s4, s5;
	s4 =	ssub.s32 $0x2, s4  }
0xc: {  	_ =	strace $0x80000047;
	s7 =	sshll.u32 s5, $0x5;
	s8 =	sshrl.u32 s4, $0x1  }
0xd: {  	s26 =	sshll.u32 s5, $0xA;
	s0 =	sadd.s32 s7, s0;
	s14 =	ssub.s32 s4, s8  }
0xe: {  	s4 =	sadd.s32 s2, s26;
	s6 =	sadd.s32 s6, s26;
	s26 =	simm.s32 $0x5100  }
0xf: {  	s5 =	sadd.s32 $0x400, s0;
	s7 =	sadd.s32 $0x8000, s6;
	s8 =	sadd.s32 $0x10000, s6  }
0x10: {  	s9 =	sadd.s32 $0x18000, s6;
	s10 =	sadd.s32 $0x200, s6;
	s11 =	sadd.s32 $0x8200, s6  }
0x11: {  	s12 =	sadd.s32 $0x10200, s6;
	s13 =	sadd.s32 $0x18200, s6;
	s14 =	smax.u32 s14, $0x1  }
.LBB2_1:
0x12: {  	s0 =	simm.s32 $0x8100  }
0x13: {  	[tilespmem:s0], [sflag:$0x2] =	stream.linear.gather [hbm4b:s4+s3], $0x2000, $0x38;
	[tilespmem:$0xA100] =	vst v63  }
0x14: {  	_ = 	snop  }
0x15: {  	[tilespmem:s3], [sflag:$0x1] =	stream.linear.gather [hbm4b:s5+s3], $0x100, $0x38;
	[tilespmem:$0xA100] =	vst v63  }
0x16: {  	_ =	swait.ge [sflag:s16], $0x100  }
0x17: {  	[sflag:s16] =	ssyncset.done $0x0  }
0x18: {  	[sflag:s16] =	ssyncadd.s32 $0xFFFFFF00  }
0x19: {  	[tilespmem:s18], [sflag:$0x3] =	stream.indirect.gather [hbm4b:s1+s17], $0x80, s3, s17, $0xb8;
	[tilespmem:$0xA100] =	vst v63  }
0x1a: {  	_ = 	snop  }
0x1b: {  	[tilespmem:s19], [sflag:$0x4] =	stream.indirect.gather [hbm4b:s1+s17], $0x80, s17, s17, $0xb8;
	[tilespmem:$0xA100] =	vst v63  }
0x1c: {  	_ =	swait.ge [sflag:s20], $0x4000  }
0x1d: {  	[sflag:s20] =	ssyncset.done $0x0  }
0x1e: {  	[sflag:s20] =	ssyncadd.s32 $0xFFFFC000  }
0x1f: {  	_ =	swait.ge [sflag:s21], $0x2000  }
0x20: {  	[sflag:s21] =	ssyncset.done $0x0  }
0x21: {  	s0 =	simm.s32 $0x0;
	[sflag:s21] =	ssyncadd.s32 $0xFFFFE000  }
0x22: {  	v2 =	vld [tilespmem:s0+$0x8100]  }
0x23: {  	v3 =	vld [tilespmem:s0+$0x8110]  }
0x24: {  	v4 =	vld [tilespmem:s0+$0x8120]  }
0x25: {  	v5 =	vld [tilespmem:s0+$0x8130]  }
0x26: {  	v6 =	vld [tilespmem:s0+$0x8140]  }
0x27: {  	v7 =	vld [tilespmem:s0+$0x8150]  }
0x28: {  	v8 =	vld [tilespmem:s0+$0x100]  }
0x29: {  	v9 =	vld [tilespmem:s0+$0x1100]  }
0x2a: {  	v10 =	vld [tilespmem:s0+$0x2100]  }
0x2b: {  	v11 =	vld [tilespmem:s0+$0x3100]  }
0x2c: {  	v12 =	vld [tilespmem:s0+$0x110]  }
0x2d: {  	v13 =	vld [tilespmem:s0+$0x1110];
	v8 =	vmul.f32 $1.131370830e+01, v8  }
0x2e: {  	v14 =	vld [tilespmem:s0+$0x2110];
	v9 =	vmul.f32 $1.131370830e+01, v9  }
0x2f: {  	v15 =	vld [tilespmem:s0+$0x3110];
	v10 =	vmul.f32 $1.131370830e+01, v10;
	v8 =	vadd.f32 v8, v2  }
0x30: {  	v16 =	vld [tilespmem:s0+$0x120];
	v9 =	vadd.f32 v9, v2  }
0x31: {  	v11 =	vmul.f32 $1.131370830e+01, v11;
	v10 =	vadd.f32 v10, v2;
	[tilespmem:s0+$0x100] =	vst v8;
	v8 =	vld [tilespmem:s0+$0x1120]  }
0x32: {  	[tilespmem:s0+$0x1100] =	vst v9;
	v9 =	vld [tilespmem:s0+$0x2120]  }
0x33: {  	v2 =	vadd.f32 v11, v2;
	v11 =	vmul.f32 $1.131370830e+01, v13;
	[tilespmem:s0+$0x2100] =	vst v10;
	v10 =	vld [tilespmem:s0+$0x3120]  }
0x34: {  	v1 =	vld [tilespmem:s0+$0x8160];
	v12 =	vmul.f32 $1.131370830e+01, v12  }
0x35: {  	v55 =	vmul.f32 $1.131370830e+01, v14;
	v57 =	vmul.f32 $1.131370830e+01, v15;
	[tilespmem:s0+$0x3100] =	vst v2;
	v2 =	vld [tilespmem:s0+$0x130];
	v11 =	vadd.f32 v11, v3  }
0x36: {  	v56 =	vld [tilespmem:s0+$0x1130];
	v58 =	vmul.f32 $1.131370830e+01, v16;
	v12 =	vadd.f32 v12, v3  }
0x37: {  	v13 =	vadd.f32 v55, v3;
	v3 =	vadd.f32 v57, v3;
	[tilespmem:s0+$0x1110] =	vst v11;
	v11 =	vld [tilespmem:s0+$0x2130];
	v8 =	vmul.f32 $1.131370830e+01, v8  }
0x38: {  	v59 =	vld [tilespmem:s0+$0x3130];
	[tilespmem:s0+$0x110] =	vst v12;
	v9 =	vmul.f32 $1.131370830e+01, v9;
	v10 =	vmul.f32 $1.131370830e+01, v10  }
0x39: {  	v60 =	vadd.f32 v58, v4;
	[tilespmem:s0+$0x3110] =	vst v3;
	v3 =	vld [tilespmem:s0+$0x140];
	v8 =	vadd.f32 v8, v4  }
0x3a: {  	v0 =	vld [tilespmem:s0+$0x8170];
	[tilespmem:s0+$0x2110] =	vst v13;
	v2 =	vmul.f32 $1.131370830e+01, v2;
	v9 =	vadd.f32 v9, v4;
	v4 =	vadd.f32 v10, v4  }
0x3b: {  	v61 =	vld [tilespmem:s0+$0x1140];
	v10 =	vmul.f32 $1.131370830e+01, v56;
	[tilespmem:s0+$0x1120] =	vst v8  }
0x3c: {  	v2 =	vadd.f32 v2, v5;
	v8 =	vld [tilespmem:s0+$0x2140];
	[tilespmem:s0+$0x3120] =	vst v4;
	v4 =	vmul.f32 $1.131370830e+01, v11  }
0x3d: {  	[tilespmem:s0+$0x2120] =	vst v9;
	v9 =	vld [tilespmem:s0+$0x3140];
	v10 =	vadd.f32 v10, v5;
	v11 =	vmul.f32 $1.131370830e+01, v59  }
0x3e: {  	v62 =	vld [tilespmem:s0+$0x150];
	v3 =	vmul.f32 $1.131370830e+01, v3;
	[tilespmem:s0+$0x130] =	vst v2;
	v4 =	vadd.f32 v4, v5  }
0x3f: {  	v2 =	vld [tilespmem:s0+$0x1150];
	[tilespmem:s0+$0x1130] =	vst v10;
	v5 =	vadd.f32 v11, v5  }
0x40: {  	v3 =	vadd.f32 v3, v6;
	v10 =	vld [tilespmem:s0+$0x2150];
	[tilespmem:s0+$0x2130] =	vst v4;
	v4 =	vmul.f32 $1.131370830e+01, v61  }
0x41: {  	v11 =	vld [tilespmem:s0+$0x3150];
	[tilespmem:s0+$0x3130] =	vst v5;
	v5 =	vmul.f32 $1.131370830e+01, v8  }
0x42: {  	v63 =	vld [tilespmem:s0+$0x160];
	[tilespmem:s0+$0x140] =	vst v3;
	v3 =	vmul.f32 $1.131370830e+01, v9;
	v4 =	vadd.f32 v4, v6  }
0x43: {  	[tilespmem:s0+$0x120] =	vst v60;
	v8 =	vld [tilespmem:s0+$0x1160];
	v9 =	vmul.f32 $1.131370830e+01, v62;
	v5 =	vadd.f32 v5, v6  }
0x44: {  	v2 =	vmul.f32 $1.131370830e+01, v2;
	v6 =	vadd.f32 v3, v6;
	[tilespmem:s0+$0x1140] =	vst v4;
	v4 =	vld [tilespmem:s0+$0x2160]  }
0x45: {  	v3 =	vld [tilespmem:s0+$0x3160];
	v9 =	vadd.f32 v9, v7;
	v10 =	vmul.f32 $1.131370830e+01, v10;
	[tilespmem:s0+$0x2140] =	vst v5  }
0x46: {  	v2 =	vadd.f32 v2, v7;
	v11 =	vmul.f32 $1.131370830e+01, v11;
	[tilespmem:s0+$0x3140] =	vst v6;
	v5 =	vld [tilespmem:s0+$0x170]  }
0x47: {  	[tilespmem:s0+$0x150] =	vst v9;
	v6 =	vld [tilespmem:s0+$0x1170];
	v9 =	vadd.f32 v10, v7;
	v10 =	vmul.f32 $1.131370830e+01, v63  }
0x48: {  	s2 =	simm.s32 $0x200;
	[tilespmem:s0+$0x1150] =	vst v2;
	v7 =	vadd.f32 v11, v7;
	v2 =	vld [tilespmem:s0+$0x2170];
	v8 =	vmul.f32 $1.131370830e+01, v8  }
.LBB2_2:
0x49: {  	s15 =	sshra.s32 s2, $0x2;
	p0 =	sne.s32 s2, $0x3E00;
	[tilespmem:s0+$0x2150] =	vst v9;
	v9 =	vadd.f32 v10, v1;
	v4 =	vmul.f32 $1.131370830e+01, v4;
	v10 =	vld [tilespmem:s0+$0x3170]  }
0x4a: {  	v11 =	vld [tilespmem:s15+$0x8100];
	[tilespmem:s0+$0x3150] =	vst v7;
	v7 =	vadd.f32 v8, v1;
	v3 =	vmul.f32 $1.131370830e+01, v3  }
0x4b: {  	v8 =	vld [tilespmem:s15+$0x8110];
	[tilespmem:s0+$0x160] =	vst v9;
	v4 =	vadd.f32 v4, v1;
	v5 =	vmul.f32 $1.131370830e+01, v5  }
0x4c: {  	v9 =	vld [tilespmem:s15+$0x8120];
	[tilespmem:s0+$0x1160] =	vst v7;
	v1 =	vadd.f32 v3, v1;
	v3 =	vmul.f32 $1.131370830e+01, v6  }
0x4d: {  	v6 =	vld [tilespmem:s15+$0x8130];
	[tilespmem:s0+$0x2160] =	vst v4;
	v4 =	vadd.f32 v5, v0;
	v5 =	vmul.f32 $1.131370830e+01, v2  }
0x4e: {  	v7 =	vld [tilespmem:s15+$0x8140];
	[tilespmem:s0+$0x3160] =	vst v1;
	v3 =	vadd.f32 v3, v0;
	v10 =	vmul.f32 $1.131370830e+01, v10  }
0x4f: {  	v2 =	vld [tilespmem:s15+$0x8150];
	[tilespmem:s0+$0x170] =	vst v4;
	v4 =	vadd.f32 v5, v0  }
0x50: {  	v1 =	vld [tilespmem:s15+$0x8160];
	[tilespmem:s0+$0x1170] =	vst v3;
	v3 =	vadd.f32 v10, v0  }
0x51: {  	v0 =	vld [tilespmem:s15+$0x8170];
	[tilespmem:s0+$0x2170] =	vst v4  }
0x52: {  	v4 =	vld [tilespmem:s15+$0x100];
	[tilespmem:s0+$0x3170] =	vst v3;
	s0 =	smov.u32 s15  }
0x53: {  	v3 =	vld [tilespmem:s0+$0x1100]  }
0x54: {  	v5 =	vld [tilespmem:s0+$0x2100]  }
0x55: {  	v10 =	vld [tilespmem:s0+$0x3100]  }
0x56: {  	v12 =	vld [tilespmem:s0+$0x110]  }
0x57: {  	v4 =	vmul.f32 $1.131370830e+01, v4;
	v13 =	vld [tilespmem:s0+$0x1110]  }
0x58: {  	v3 =	vmul.f32 $1.131370830e+01, v3;
	v14 =	vld [tilespmem:s0+$0x2110]  }
0x59: {  	v4 =	vadd.f32 v4, v11;
	v5 =	vmul.f32 $1.131370830e+01, v5;
	v15 =	vld [tilespmem:s0+$0x3110]  }
0x5a: {  	v3 =	vadd.f32 v3, v11;
	v10 =	vmul.f32 $1.131370830e+01, v10;
	v16 =	vld [tilespmem:s0+$0x120]  }
0x5b: {  	[tilespmem:s0+$0x100] =	vst v4;
	v4 =	vadd.f32 v5, v11;
	v5 =	vmul.f32 $1.131370830e+01, v12;
	v12 =	vld [tilespmem:s0+$0x1120]  }
0x5c: {  	[tilespmem:s0+$0x1100] =	vst v3;
	v3 =	vadd.f32 v10, v11;
	v10 =	vmul.f32 $1.131370830e+01, v13;
	v11 =	vld [tilespmem:s0+$0x2120]  }
0x5d: {  	[tilespmem:s0+$0x2100] =	vst v4;
	v4 =	vadd.f32 v5, v8;
	v5 =	vmul.f32 $1.131370830e+01, v14;
	v13 =	vld [tilespmem:s0+$0x3120]  }
0x5e: {  	[tilespmem:s0+$0x3100] =	vst v3;
	v3 =	vadd.f32 v10, v8;
	v10 =	vmul.f32 $1.131370830e+01, v15;
	v14 =	vld [tilespmem:s0+$0x130]  }
0x5f: {  	[tilespmem:s0+$0x110] =	vst v4;
	v4 =	vadd.f32 v5, v8;
	v5 =	vmul.f32 $1.131370830e+01, v16;
	v15 =	vld [tilespmem:s0+$0x1130]  }
0x60: {  	[tilespmem:s0+$0x1110] =	vst v3;
	v3 =	vadd.f32 v10, v8;
	v8 =	vmul.f32 $1.131370830e+01, v12;
	v10 =	vld [tilespmem:s0+$0x2130]  }
0x61: {  	[tilespmem:s0+$0x2110] =	vst v4;
	v4 =	vadd.f32 v5, v9;
	v5 =	vmul.f32 $1.131370830e+01, v11;
	v11 =	vld [tilespmem:s0+$0x3130]  }
0x62: {  	[tilespmem:s0+$0x3110] =	vst v3;
	v3 =	vadd.f32 v8, v9;
	v8 =	vmul.f32 $1.131370830e+01, v13;
	v12 =	vld [tilespmem:s0+$0x140]  }
0x63: {  	[tilespmem:s0+$0x120] =	vst v4;
	v4 =	vadd.f32 v5, v9;
	v5 =	vmul.f32 $1.131370830e+01, v14;
	v13 =	vld [tilespmem:s0+$0x1140]  }
0x64: {  	[tilespmem:s0+$0x1120] =	vst v3;
	v3 =	vadd.f32 v8, v9;
	v8 =	vmul.f32 $1.131370830e+01, v15;
	v9 =	vld [tilespmem:s0+$0x2140]  }
0x65: {  	[tilespmem:s0+$0x2120] =	vst v4;
	v4 =	vadd.f32 v5, v6;
	v5 =	vmul.f32 $1.131370830e+01, v10;
	v10 =	vld [tilespmem:s0+$0x3140]  }
0x66: {  	[tilespmem:s0+$0x3120] =	vst v3;
	v3 =	vadd.f32 v8, v6;
	v8 =	vmul.f32 $1.131370830e+01, v11;
	v11 =	vld [tilespmem:s0+$0x150]  }
0x67: {  	[tilespmem:s0+$0x130] =	vst v4;
	v4 =	vadd.f32 v5, v6;
	v5 =	vmul.f32 $1.131370830e+01, v12;
	v12 =	vld [tilespmem:s0+$0x1150]  }
0x68: {  	[tilespmem:s0+$0x1130] =	vst v3;
	v3 =	vadd.f32 v8, v6;
	v6 =	vmul.f32 $1.131370830e+01, v13;
	v8 =	vld [tilespmem:s0+$0x2150]  }
0x69: {  	[tilespmem:s0+$0x2130] =	vst v4;
	v4 =	vadd.f32 v5, v7;
	v5 =	vmul.f32 $1.131370830e+01, v9;
	v9 =	vld [tilespmem:s0+$0x3150]  }
0x6a: {  	[tilespmem:s0+$0x3130] =	vst v3;
	v3 =	vadd.f32 v6, v7;
	v6 =	vmul.f32 $1.131370830e+01, v10;
	v10 =	vld [tilespmem:s0+$0x160]  }
0x6b: {  	[tilespmem:s0+$0x140] =	vst v4;
	v5 =	vadd.f32 v5, v7;
	v11 =	vmul.f32 $1.131370830e+01, v11;
	v13 =	vld [tilespmem:s0+$0x1160]  }
.Ltmp0:
0x6c: {  	[tilespmem:s0+$0x1140] =	vst v3;
	v6 =	vadd.f32 v6, v7;
	v7 =	vmul.f32 $1.131370830e+01, v12;
	v4 =	vld [tilespmem:s0+$0x2160];
	(pc) =	sbr.rel @p0 .LBB2_2-.Ltmp0, $4  }
0x6d: {  	[tilespmem:s0+$0x2140] =	vst v5;
	v11 =	vadd.f32 v11, v2;
	v8 =	vmul.f32 $1.131370830e+01, v8;
	v3 =	vld [tilespmem:s0+$0x3160]  }
0x6e: {  	[tilespmem:s0+$0x3140] =	vst v6;
	v7 =	vadd.f32 v7, v2;
	v12 =	vmul.f32 $1.131370830e+01, v9;
	v5 =	vld [tilespmem:s0+$0x170]  }
0x6f: {  	[tilespmem:s0+$0x150] =	vst v11;
	v9 =	vadd.f32 v8, v2;
	v10 =	vmul.f32 $1.131370830e+01, v10;
	v6 =	vld [tilespmem:s0+$0x1170]  }
0x70: {  	s2 =	sadd.s32 $0x200, s2;
	[tilespmem:s0+$0x1150] =	vst v7;
	v7 =	vadd.f32 v12, v2;
	v8 =	vmul.f32 $1.131370830e+01, v13;
	v2 =	vld [tilespmem:s0+$0x2170]  }
0x71: {  	[tilespmem:s0+$0x2150] =	vst v9;
	v9 =	vadd.f32 v10, v1;
	v4 =	vmul.f32 $1.131370830e+01, v4;
	v10 =	vld [tilespmem:s0+$0x3170]  }
0x72: {  	[tilespmem:s0+$0x3150] =	vst v7;
	v7 =	vadd.f32 v8, v1;
	v3 =	vmul.f32 $1.131370830e+01, v3  }
0x73: {  	[tilespmem:s0+$0x160] =	vst v9;
	v4 =	vadd.f32 v4, v1;
	v5 =	vmul.f32 $1.131370830e+01, v5  }
0x74: {  	[tilespmem:s0+$0x1160] =	vst v7;
	v1 =	vadd.f32 v3, v1;
	v3 =	vmul.f32 $1.131370830e+01, v6  }
0x75: {  	[tilespmem:s0+$0x2160] =	vst v4;
	v4 =	vadd.f32 v5, v0;
	v2 =	vmul.f32 $1.131370830e+01, v2  }
0x76: {  	[tilespmem:s0+$0x3160] =	vst v1;
	v1 =	vadd.f32 v3, v0;
	v3 =	vmul.f32 $1.131370830e+01, v10  }
0x77: {  	[tilespmem:s0+$0x170] =	vst v4;
	v2 =	vadd.f32 v2, v0  }
0x78: {  	[tilespmem:s0+$0x1170] =	vst v1;
	v0 =	vadd.f32 v3, v0  }
0x79: {  	[tilespmem:s0+$0x2170] =	vst v2  }
0x7a: {  	s15 =	simm.s32 $0x0;
	[tilespmem:s0+$0x3170] =	vst v0  }
0x7b: {  	[hbm4b:s6+s15] =	stream.linear.scatter [tilespmem:s18], [sflag:$0x5], $0x1000, $0x38;
	[tilespmem:$0xA100] =	vst v63  }
0x7c: {  	_ = 	snop  }
0x7d: {  	[hbm4b:s7+s15] =	stream.linear.scatter [tilespmem:s22], [sflag:$0x5], $0x1000, $0x38;
	[tilespmem:$0xA100] =	vst v63  }
0x7e: {  	_ = 	snop  }
0x7f: {  	[hbm4b:s8+s15] =	stream.linear.scatter [tilespmem:s23], [sflag:$0x5], $0x1000, $0x38;
	[tilespmem:$0xA100] =	vst v63  }
0x80: {  	_ = 	snop  }
0x81: {  	[hbm4b:s9+s15] =	stream.linear.scatter [tilespmem:s24], [sflag:$0x5], $0x1000, $0x38;
	[tilespmem:$0xA100] =	vst v63  }
0x82: {  	_ =	swait.ge [sflag:s25], $0x4000  }
0x83: {  	[sflag:s25] =	ssyncset.done $0x0  }
0x84: {  	s0 =	simm.s32 $0x0;
	[sflag:s25] =	ssyncadd.s32 $0xFFFFC000  }
0x85: {  	v2 =	vld [tilespmem:s0+$0x9100]  }
0x86: {  	v3 =	vld [tilespmem:s0+$0x9110]  }
0x87: {  	v4 =	vld [tilespmem:s0+$0x9120]  }
0x88: {  	v5 =	vld [tilespmem:s0+$0x9130]  }
0x89: {  	v6 =	vld [tilespmem:s0+$0x9140]  }
0x8a: {  	v7 =	vld [tilespmem:s0+$0x9150]  }
0x8b: {  	v8 =	vld [tilespmem:s0+$0x4100]  }
0x8c: {  	v9 =	vld [tilespmem:s0+$0x5100]  }
0x8d: {  	v10 =	vld [tilespmem:s0+$0x6100]  }
0x8e: {  	v11 =	vld [tilespmem:s0+$0x7100]  }
0x8f: {  	v12 =	vld [tilespmem:s0+$0x4110]  }
0x90: {  	v13 =	vld [tilespmem:s0+$0x5110];
	v8 =	vmul.f32 $1.131370830e+01, v8  }
0x91: {  	v14 =	vld [tilespmem:s0+$0x6110];
	v9 =	vmul.f32 $1.131370830e+01, v9  }
0x92: {  	v15 =	vld [tilespmem:s0+$0x7110];
	v10 =	vmul.f32 $1.131370830e+01, v10;
	v8 =	vadd.f32 v8, v2  }
0x93: {  	v16 =	vld [tilespmem:s0+$0x4120];
	v9 =	vadd.f32 v9, v2  }
0x94: {  	v11 =	vmul.f32 $1.131370830e+01, v11;
	v10 =	vadd.f32 v10, v2;
	[tilespmem:s0+$0x4100] =	vst v8;
	v8 =	vld [tilespmem:s0+$0x5120]  }
0x95: {  	[tilespmem:s0+$0x5100] =	vst v9;
	v9 =	vld [tilespmem:s0+$0x6120]  }
0x96: {  	v2 =	vadd.f32 v11, v2;
	v11 =	vmul.f32 $1.131370830e+01, v13;
	[tilespmem:s0+$0x6100] =	vst v10;
	v10 =	vld [tilespmem:s0+$0x7120]  }
0x97: {  	v1 =	vld [tilespmem:s0+$0x9160];
	v12 =	vmul.f32 $1.131370830e+01, v12  }
0x98: {  	v55 =	vmul.f32 $1.131370830e+01, v14;
	v57 =	vmul.f32 $1.131370830e+01, v15;
	[tilespmem:s0+$0x7100] =	vst v2;
	v2 =	vld [tilespmem:s0+$0x4130];
	v11 =	vadd.f32 v11, v3  }
0x99: {  	v56 =	vld [tilespmem:s0+$0x5130];
	v58 =	vmul.f32 $1.131370830e+01, v16;
	v12 =	vadd.f32 v12, v3  }
0x9a: {  	v13 =	vadd.f32 v55, v3;
	v3 =	vadd.f32 v57, v3;
	[tilespmem:s0+$0x5110] =	vst v11;
	v11 =	vld [tilespmem:s0+$0x6130];
	v8 =	vmul.f32 $1.131370830e+01, v8  }
0x9b: {  	v59 =	vld [tilespmem:s0+$0x7130];
	[tilespmem:s0+$0x4110] =	vst v12;
	v9 =	vmul.f32 $1.131370830e+01, v9;
	v10 =	vmul.f32 $1.131370830e+01, v10  }
0x9c: {  	v60 =	vadd.f32 v58, v4;
	[tilespmem:s0+$0x7110] =	vst v3;
	v3 =	vld [tilespmem:s0+$0x4140];
	v8 =	vadd.f32 v8, v4  }
0x9d: {  	v0 =	vld [tilespmem:s0+$0x9170];
	[tilespmem:s0+$0x6110] =	vst v13;
	v2 =	vmul.f32 $1.131370830e+01, v2;
	v9 =	vadd.f32 v9, v4;
	v4 =	vadd.f32 v10, v4  }
0x9e: {  	v61 =	vld [tilespmem:s0+$0x5140];
	v10 =	vmul.f32 $1.131370830e+01, v56;
	[tilespmem:s0+$0x5120] =	vst v8  }
0x9f: {  	v2 =	vadd.f32 v2, v5;
	v8 =	vld [tilespmem:s0+$0x6140];
	[tilespmem:s0+$0x7120] =	vst v4;
	v4 =	vmul.f32 $1.131370830e+01, v11  }
0xa0: {  	[tilespmem:s0+$0x6120] =	vst v9;
	v9 =	vld [tilespmem:s0+$0x7140];
	v10 =	vadd.f32 v10, v5;
	v11 =	vmul.f32 $1.131370830e+01, v59  }
0xa1: {  	v62 =	vld [tilespmem:s0+$0x4150];
	v3 =	vmul.f32 $1.131370830e+01, v3;
	[tilespmem:s0+$0x4130] =	vst v2;
	v4 =	vadd.f32 v4, v5  }
0xa2: {  	v2 =	vld [tilespmem:s0+$0x5150];
	[tilespmem:s0+$0x5130] =	vst v10;
	v5 =	vadd.f32 v11, v5  }
0xa3: {  	v3 =	vadd.f32 v3, v6;
	v10 =	vld [tilespmem:s0+$0x6150];
	[tilespmem:s0+$0x6130] =	vst v4;
	v4 =	vmul.f32 $1.131370830e+01, v61  }
0xa4: {  	v11 =	vld [tilespmem:s0+$0x7150];
	[tilespmem:s0+$0x7130] =	vst v5;
	v5 =	vmul.f32 $1.131370830e+01, v8  }
0xa5: {  	v63 =	vld [tilespmem:s0+$0x4160];
	[tilespmem:s0+$0x4140] =	vst v3;
	v3 =	vmul.f32 $1.131370830e+01, v9;
	v4 =	vadd.f32 v4, v6  }
0xa6: {  	[tilespmem:s0+$0x4120] =	vst v60;
	v8 =	vld [tilespmem:s0+$0x5160];
	v9 =	vmul.f32 $1.131370830e+01, v62;
	v5 =	vadd.f32 v5, v6  }
0xa7: {  	v2 =	vmul.f32 $1.131370830e+01, v2;
	v6 =	vadd.f32 v3, v6;
	[tilespmem:s0+$0x5140] =	vst v4;
	v4 =	vld [tilespmem:s0+$0x6160]  }
0xa8: {  	v3 =	vld [tilespmem:s0+$0x7160];
	v9 =	vadd.f32 v9, v7;
	v10 =	vmul.f32 $1.131370830e+01, v10;
	[tilespmem:s0+$0x6140] =	vst v5  }
0xa9: {  	v2 =	vadd.f32 v2, v7;
	v11 =	vmul.f32 $1.131370830e+01, v11;
	[tilespmem:s0+$0x7140] =	vst v6;
	v5 =	vld [tilespmem:s0+$0x4170]  }
0xaa: {  	[tilespmem:s0+$0x4150] =	vst v9;
	v6 =	vld [tilespmem:s0+$0x5170];
	v9 =	vadd.f32 v10, v7;
	v10 =	vmul.f32 $1.131370830e+01, v63  }
0xab: {  	s2 =	simm.s32 $0x200;
	[tilespmem:s0+$0x5150] =	vst v2;
	v7 =	vadd.f32 v11, v7;
	v2 =	vld [tilespmem:s0+$0x6170];
	v8 =	vmul.f32 $1.131370830e+01, v8  }
.LBB2_4:
0xac: {  	s15 =	sshra.s32 s2, $0x2;
	p0 =	sne.s32 s2, $0x3E00;
	[tilespmem:s0+$0x6150] =	vst v9;
	v9 =	vadd.f32 v10, v1;
	v4 =	vmul.f32 $1.131370830e+01, v4;
	v10 =	vld [tilespmem:s0+$0x7170]  }
0xad: {  	v11 =	vld [tilespmem:s15+$0x9100];
	[tilespmem:s0+$0x7150] =	vst v7;
	v7 =	vadd.f32 v8, v1;
	v3 =	vmul.f32 $1.131370830e+01, v3  }
0xae: {  	v8 =	vld [tilespmem:s15+$0x9110];
	[tilespmem:s0+$0x4160] =	vst v9;
	v4 =	vadd.f32 v4, v1;
	v5 =	vmul.f32 $1.131370830e+01, v5  }
0xaf: {  	v9 =	vld [tilespmem:s15+$0x9120];
	[tilespmem:s0+$0x5160] =	vst v7;
	v1 =	vadd.f32 v3, v1;
	v3 =	vmul.f32 $1.131370830e+01, v6  }
0xb0: {  	v6 =	vld [tilespmem:s15+$0x9130];
	[tilespmem:s0+$0x6160] =	vst v4;
	v4 =	vadd.f32 v5, v0;
	v5 =	vmul.f32 $1.131370830e+01, v2  }
0xb1: {  	v7 =	vld [tilespmem:s15+$0x9140];
	[tilespmem:s0+$0x7160] =	vst v1;
	v3 =	vadd.f32 v3, v0;
	v10 =	vmul.f32 $1.131370830e+01, v10  }
0xb2: {  	v2 =	vld [tilespmem:s15+$0x9150];
	[tilespmem:s0+$0x4170] =	vst v4;
	v4 =	vadd.f32 v5, v0  }
0xb3: {  	v1 =	vld [tilespmem:s15+$0x9160];
	[tilespmem:s0+$0x5170] =	vst v3;
	v3 =	vadd.f32 v10, v0  }
0xb4: {  	v0 =	vld [tilespmem:s15+$0x9170];
	[tilespmem:s0+$0x6170] =	vst v4  }
0xb5: {  	v4 =	vld [tilespmem:s15+$0x4100];
	[tilespmem:s0+$0x7170] =	vst v3;
	s0 =	smov.u32 s15  }
0xb6: {  	v3 =	vld [tilespmem:s0+$0x5100]  }
0xb7: {  	v5 =	vld [tilespmem:s0+$0x6100]  }
0xb8: {  	v10 =	vld [tilespmem:s0+$0x7100]  }
0xb9: {  	v12 =	vld [tilespmem:s0+$0x4110]  }
0xba: {  	v4 =	vmul.f32 $1.131370830e+01, v4;
	v13 =	vld [tilespmem:s0+$0x5110]  }
0xbb: {  	v3 =	vmul.f32 $1.131370830e+01, v3;
	v14 =	vld [tilespmem:s0+$0x6110]  }
0xbc: {  	v4 =	vadd.f32 v4, v11;
	v5 =	vmul.f32 $1.131370830e+01, v5;
	v15 =	vld [tilespmem:s0+$0x7110]  }
0xbd: {  	v3 =	vadd.f32 v3, v11;
	v10 =	vmul.f32 $1.131370830e+01, v10;
	v16 =	vld [tilespmem:s0+$0x4120]  }
0xbe: {  	[tilespmem:s0+$0x4100] =	vst v4;
	v4 =	vadd.f32 v5, v11;
	v5 =	vmul.f32 $1.131370830e+01, v12;
	v12 =	vld [tilespmem:s0+$0x5120]  }
0xbf: {  	[tilespmem:s0+$0x5100] =	vst v3;
	v3 =	vadd.f32 v10, v11;
	v10 =	vmul.f32 $1.131370830e+01, v13;
	v11 =	vld [tilespmem:s0+$0x6120]  }
0xc0: {  	[tilespmem:s0+$0x6100] =	vst v4;
	v4 =	vadd.f32 v5, v8;
	v5 =	vmul.f32 $1.131370830e+01, v14;
	v13 =	vld [tilespmem:s0+$0x7120]  }
0xc1: {  	[tilespmem:s0+$0x7100] =	vst v3;
	v3 =	vadd.f32 v10, v8;
	v10 =	vmul.f32 $1.131370830e+01, v15;
	v14 =	vld [tilespmem:s0+$0x4130]  }
0xc2: {  	[tilespmem:s0+$0x4110] =	vst v4;
	v4 =	vadd.f32 v5, v8;
	v5 =	vmul.f32 $1.131370830e+01, v16;
	v15 =	vld [tilespmem:s0+$0x5130]  }
0xc3: {  	[tilespmem:s0+$0x5110] =	vst v3;
	v3 =	vadd.f32 v10, v8;
	v8 =	vmul.f32 $1.131370830e+01, v12;
	v10 =	vld [tilespmem:s0+$0x6130]  }
0xc4: {  	[tilespmem:s0+$0x6110] =	vst v4;
	v4 =	vadd.f32 v5, v9;
	v5 =	vmul.f32 $1.131370830e+01, v11;
	v11 =	vld [tilespmem:s0+$0x7130]  }
0xc5: {  	[tilespmem:s0+$0x7110] =	vst v3;
	v3 =	vadd.f32 v8, v9;
	v8 =	vmul.f32 $1.131370830e+01, v13;
	v12 =	vld [tilespmem:s0+$0x4140]  }
0xc6: {  	[tilespmem:s0+$0x4120] =	vst v4;
	v4 =	vadd.f32 v5, v9;
	v5 =	vmul.f32 $1.131370830e+01, v14;
	v13 =	vld [tilespmem:s0+$0x5140]  }
0xc7: {  	[tilespmem:s0+$0x5120] =	vst v3;
	v3 =	vadd.f32 v8, v9;
	v8 =	vmul.f32 $1.131370830e+01, v15;
	v9 =	vld [tilespmem:s0+$0x6140]  }
0xc8: {  	[tilespmem:s0+$0x6120] =	vst v4;
	v4 =	vadd.f32 v5, v6;
	v5 =	vmul.f32 $1.131370830e+01, v10;
	v10 =	vld [tilespmem:s0+$0x7140]  }
0xc9: {  	[tilespmem:s0+$0x7120] =	vst v3;
	v3 =	vadd.f32 v8, v6;
	v8 =	vmul.f32 $1.131370830e+01, v11;
	v11 =	vld [tilespmem:s0+$0x4150]  }
0xca: {  	[tilespmem:s0+$0x4130] =	vst v4;
	v4 =	vadd.f32 v5, v6;
	v5 =	vmul.f32 $1.131370830e+01, v12;
	v12 =	vld [tilespmem:s0+$0x5150]  }
0xcb: {  	[tilespmem:s0+$0x5130] =	vst v3;
	v3 =	vadd.f32 v8, v6;
	v6 =	vmul.f32 $1.131370830e+01, v13;
	v8 =	vld [tilespmem:s0+$0x6150]  }
0xcc: {  	[tilespmem:s0+$0x6130] =	vst v4;
	v4 =	vadd.f32 v5, v7;
	v5 =	vmul.f32 $1.131370830e+01, v9;
	v9 =	vld [tilespmem:s0+$0x7150]  }
0xcd: {  	[tilespmem:s0+$0x7130] =	vst v3;
	v3 =	vadd.f32 v6, v7;
	v6 =	vmul.f32 $1.131370830e+01, v10;
	v10 =	vld [tilespmem:s0+$0x4160]  }
0xce: {  	[tilespmem:s0+$0x4140] =	vst v4;
	v5 =	vadd.f32 v5, v7;
	v11 =	vmul.f32 $1.131370830e+01, v11;
	v13 =	vld [tilespmem:s0+$0x5160]  }
.Ltmp1:
0xcf: {  	[tilespmem:s0+$0x5140] =	vst v3;
	v6 =	vadd.f32 v6, v7;
	v7 =	vmul.f32 $1.131370830e+01, v12;
	v4 =	vld [tilespmem:s0+$0x6160];
	(pc) =	sbr.rel @p0 .LBB2_4-.Ltmp1, $4  }
0xd0: {  	[tilespmem:s0+$0x6140] =	vst v5;
	v11 =	vadd.f32 v11, v2;
	v8 =	vmul.f32 $1.131370830e+01, v8;
	v3 =	vld [tilespmem:s0+$0x7160]  }
0xd1: {  	[tilespmem:s0+$0x7140] =	vst v6;
	v7 =	vadd.f32 v7, v2;
	v12 =	vmul.f32 $1.131370830e+01, v9;
	v5 =	vld [tilespmem:s0+$0x4170]  }
0xd2: {  	[tilespmem:s0+$0x4150] =	vst v11;
	v9 =	vadd.f32 v8, v2;
	v10 =	vmul.f32 $1.131370830e+01, v10;
	v6 =	vld [tilespmem:s0+$0x5170]  }
0xd3: {  	s2 =	sadd.s32 $0x200, s2;
	[tilespmem:s0+$0x5150] =	vst v7;
	v7 =	vadd.f32 v12, v2;
	v8 =	vmul.f32 $1.131370830e+01, v13;
	v2 =	vld [tilespmem:s0+$0x6170]  }
0xd4: {  	[tilespmem:s0+$0x6150] =	vst v9;
	v55 =	vadd.f32 v10, v1;
	v4 =	vmul.f32 $1.131370830e+01, v4;
	v56 =	vld [tilespmem:s0+$0x7170]  }
0xd5: {  	[tilespmem:s0+$0x7150] =	vst v7;
	v57 =	vadd.f32 v8, v1;
	v3 =	vmul.f32 $1.131370830e+01, v3  }
0xd6: {  	[tilespmem:s0+$0x4160] =	vst v55;
	v4 =	vadd.f32 v4, v1;
	v5 =	vmul.f32 $1.131370830e+01, v5  }
0xd7: {  	[tilespmem:s0+$0x5160] =	vst v57;
	v58 =	vadd.f32 v3, v1;
	v59 =	vmul.f32 $1.131370830e+01, v6  }
0xd8: {  	[tilespmem:s0+$0x6160] =	vst v4;
	v60 =	vadd.f32 v5, v0;
	v2 =	vmul.f32 $1.131370830e+01, v2  }
0xd9: {  	[tilespmem:s0+$0x7160] =	vst v58;
	v61 =	vadd.f32 v59, v0;
	v62 =	vmul.f32 $1.131370830e+01, v56  }
0xda: {  	[tilespmem:s0+$0x4170] =	vst v60;
	v2 =	vadd.f32 v2, v0  }
0xdb: {  	[tilespmem:s0+$0x5170] =	vst v61;
	v63 =	vadd.f32 v62, v0  }
0xdc: {  	[tilespmem:s0+$0x6170] =	vst v2  }
0xdd: {  	[tilespmem:s0+$0x7170] =	vst v63  }
0xde: {  	[hbm4b:s10+s3] =	stream.linear.scatter [tilespmem:s19], [sflag:$0x5], $0x1000, $0x38;
	[tilespmem:$0xA100] =	vst v63  }
0xdf: {  	_ = 	snop  }
0xe0: {  	[hbm4b:s11+s3] =	stream.linear.scatter [tilespmem:s26], [sflag:$0x5], $0x1000, $0x38;
	[tilespmem:$0xA100] =	vst v63  }
0xe1: {  	_ = 	snop  }
0xe2: {  	[hbm4b:s12+s3] =	stream.linear.scatter [tilespmem:s28], [sflag:$0x5], $0x1000, $0x38;
	[tilespmem:$0xA100] =	vst v63  }
0xe3: {  	_ = 	snop  }
0xe4: {  	[hbm4b:s13+s3] =	stream.linear.scatter [tilespmem:s29], [sflag:$0x5], $0x1000, $0x38;
	[tilespmem:$0xA100] =	vst v63  }
0xe5: {  	_ =	swait.ge [sflag:s30], $0x1000  }
0xe6: {  	[sflag:s30] =	ssyncset.done $0x0  }
0xe7: {  	[sflag:s30] =	ssyncadd.s32 $0xFFFFF000  }
0xe8: {  	_ =	swait.ge [sflag:s30], $0x1000  }
0xe9: {  	[sflag:s30] =	ssyncset.done $0x0  }
0xea: {  	[sflag:s30] =	ssyncadd.s32 $0xFFFFF000  }
0xeb: {  	_ =	swait.ge [sflag:s30], $0x1000  }
0xec: {  	[sflag:s30] =	ssyncset.done $0x0  }
0xed: {  	[sflag:s30] =	ssyncadd.s32 $0xFFFFF000  }
0xee: {  	_ =	swait.ge [sflag:s30], $0x1000  }
0xef: {  	[sflag:s30] =	ssyncset.done $0x0  }
0xf0: {  	[sflag:s30] =	ssyncadd.s32 $0xFFFFF000  }
0xf1: {  	_ =	swait.ge [sflag:s30], $0x1000  }
0xf2: {  	[sflag:s30] =	ssyncset.done $0x0  }
0xf3: {  	[sflag:s30] =	ssyncadd.s32 $0xFFFFF000  }
0xf4: {  	_ =	swait.ge [sflag:s30], $0x1000  }
0xf5: {  	[sflag:s30] =	ssyncset.done $0x0  }
0xf6: {  	s31 =	sadd.s32 $0x1, s31;
	[sflag:s30] =	ssyncadd.s32 $0xFFFFF000  }
0xf7: {  	p0 =	sne.s32 s31, s14;
	_ =	swait.ge [sflag:s30], $0x1000  }
.Ltmp2:
0xf8: {  	[sflag:s30] =	ssyncset.done $0x0;
	(pc) =	sbr.rel @p0 .LBB2_1-.Ltmp2, $4  }
0xf9: {  	[sflag:s30] =	ssyncadd.s32 $0xFFFFF000  }
0xfa: {  	_ =	swait.ge [sflag:s30], $0x1000  }
0xfb: {  	[sflag:s30] =	ssyncset.done $0x0  }
0xfc: {  	[sflag:s30] =	ssyncadd.s32 $0xFFFFF000  }
0xfd: {  	_ =	sfence.sel $0x180000  }
0xfe: {  	[bflag:$0x0] =	sbarrier.arrive $0xFFFF  }
0xff: {  	_ =	strace $0x90000047  }
0x100: {  	s0 =	stileid.u32;
	[bflag:$0x2] =	sbarrier.arrive $0xFFFF  }
0x101: {  	p0 =	sne.s32 s0, $0x0;
	s0 =	rddreg [dreg:$0x4]  }
0x102: {  	s0 =	sadd.s32 @!p0 $0x100000, s0  }
0x103: {  	[sflag:s0] =	ssyncadd.tile.s32 @!p0 $0x1;
	_ =	shalt  }
.Lfunc_end2:
_tile_overlayer_lowered:
.L_overlay_start_2:
0x104: {  	(tag) =	ssettag $0x2  }
0x105: {  	s0 =	rddreg [dreg:$0x0];
	s2 =	stileid.u32  }
0x106: {  	s1 =	rddreg [dreg:$0x1];
	p0 =	sne.s32 s2, $0x0  }
0x107: {  	s3 =	rddreg [dreg:$0x2];
	[bflag:$0x3] =	sbarrier.arrive $0xFFFF;
	s2 =	simm.s32 @!p0 $0x1C06  }
0x108: {  	[timem:s3], [sflag:s2] =	dma.local @!p0 [hbm:s0], s1  }
0x109: {  	s0 =	simm.s32 @!p0 $0x6  }
0x10a: {  	_ =	swait.ge @!p0 [sflag:s0], s1  }
0x10b: {  	s1 =	ssub.s32 @!p0 $0x0, s1;
	[sflag:s0] =	ssyncset.done @!p0 $0x0  }
0x10c: {  	[sflag:s0] =	ssyncadd.s32 @!p0 s1  }
0x10d: {  	[bflag:$0x3] =	sbarrier.arrive $0xFFFF  }
0x10e: {  	_ =	shalt  }

</sc_bundles>
